<compile_context>
chip_gen: v7x
topology: tpu7x:2x2x1
jax: 0.10.2.dev20260603
libtpu: 0.0.44.dev20260713+nightly
codegen_flags: <defaults>
</compile_context>

<pallas_src>
import functools

import jax
import jax.numpy as jnp
from jax import lax
from jax.experimental import pallas as pl
from jax.experimental.pallas import tpu as pltpu
from jax.experimental.pallas import tpu_sc as plsc

_NC = 2
_NS = 16
_NW = _NC * _NS
_L = 16


def _sc_index_build(adjx, nodes32, *, B, H, N):
    BPW = B // _NW
    GPW = BPW * H
    FPW = GPW * H

    mesh = plsc.VectorSubcoreMesh(core_axis_name="c", subcore_axis_name="s")

    @functools.partial(
        pl.kernel,
        out_type=jax.ShapeDtypeStruct((_NW * FPW,), jnp.int32),
        mesh=mesh,
        compiler_params=pltpu.CompilerParams(
            needs_layout_passes=False, use_tc_tiling_on_sc=False),
        scratch_types=[
            pltpu.VMEM((BPW,), jnp.int32),
            pltpu.VMEM((BPW, 16), jnp.int32),
            pltpu.VMEM((GPW,), jnp.int32),
            pltpu.VMEM((GPW, 16), jnp.int32),
            pltpu.VMEM((FPW,), jnp.int32),
            pltpu.SemaphoreType.DMA,
        ],
    )
    def ka(adjx_hbm, nodes_hbm, fidx_hbm,
           nodes_v, nb2x_v, hood2c_v, nb1x_v, fidx_v, sem):
        wid = lax.axis_index("s") * _NC + lax.axis_index("c")

        with jax.named_scope("a_nodes"):
            pltpu.sync_copy(nodes_hbm.at[pl.ds(wid * BPW, BPW)], nodes_v)

        with jax.named_scope("a_gather2"):
            pltpu.async_copy(adjx_hbm.at[nodes_v], nb2x_v, sem).wait()

        iot = lax.iota(jnp.int32, 16)
        msk = iot < H

        with jax.named_scope("a_compact"):
            def h2_body(kk, _):
                v = nb2x_v[kk, :]
                pos = iot * BPW + kk
                plsc.store_scatter(hood2c_v, [pos], v, mask=msk)
                return 0

            lax.fori_loop(0, BPW, h2_body, 0)

        with jax.named_scope("a_gather1"):
            pltpu.async_copy(adjx_hbm.at[hood2c_v], nb1x_v, sem).wait()

        with jax.named_scope("a_scatterloop"):
            def fx_body(g, _):
                v = nb1x_v[g, :]
                pos = iot * GPW + g
                plsc.store_scatter(fidx_v, [pos], v, mask=msk)
                return 0

            lax.fori_loop(0, GPW, fx_body, 0)

        with jax.named_scope("a_writeout"):
            pltpu.sync_copy(fidx_v, fidx_hbm.at[pl.ds(wid * FPW, FPW)])

    return ka(adjx, nodes32)


def _sc_segment_sum(features, fidx, *, B, H, D):
    G = B * H
    GPW = G // _NW
    FPW = GPW * H

    mesh = plsc.VectorSubcoreMesh(core_axis_name="c", subcore_axis_name="s")

    @functools.partial(
        pl.kernel,
        out_type=jax.ShapeDtypeStruct((G, D), jnp.float32),
        mesh=mesh,
        compiler_params=pltpu.CompilerParams(use_tc_tiling_on_sc=True),
        scratch_types=[
            pltpu.VMEM((FPW,), jnp.int32),
            pltpu.VMEM((GPW, D), jnp.float32),
            pltpu.SemaphoreType.DMA,
        ],
    )
    def kb(features_hbm, fidx_hbm, out_hbm, fidx_v, acc_v, sem):
        wid = lax.axis_index("s") * _NC + lax.axis_index("c")
        BPW = GPW // H

        pltpu.sync_copy(fidx_hbm.at[pl.ds(wid * FPW, FPW)], fidx_v)

        pltpu.async_copy(
            features_hbm.at[fidx_v.at[pl.ds(0, GPW)]], acc_v, sem).wait()
        for j in range(1, H):
            pltpu.async_copy(
                features_hbm.at[fidx_v.at[pl.ds(j * GPW, GPW)]], acc_v, sem,
                add=True).wait()

        for i in range(H):
            pltpu.sync_copy(
                acc_v.at[pl.ds(i * BPW, BPW)],
                out_hbm.at[pl.ds(i * B + wid * BPW, BPW)])

    return kb(features, fidx)


def _tc_encode(agg1, W1t, W2t, *, B, H, D, E):
    BBLK = 512

    def body(x_ref, w1t_ref, w2t_ref, out_ref):
        w1t = w1t_ref[...]
        a2 = jnp.maximum(
            jnp.dot(x_ref[0], w1t, preferred_element_type=jnp.float32), 0.0)
        for i in range(1, H):
            a2 = a2 + jnp.maximum(
                jnp.dot(x_ref[i], w1t, preferred_element_type=jnp.float32),
                0.0)
        h2 = jnp.maximum(
            jnp.dot(a2, w2t_ref[...], preferred_element_type=jnp.float32), 0.0)
        out_ref[...] = h2.T

    return pl.pallas_call(
        body,
        grid=(B // BBLK,),
        in_specs=[
            pl.BlockSpec((H, BBLK, D), lambda i: (0, i, 0)),
            pl.BlockSpec((D, E), lambda i: (0, 0)),
            pl.BlockSpec((E, E), lambda i: (0, 0)),
        ],
        out_specs=pl.BlockSpec((E, BBLK), lambda i: (0, i)),
        out_shape=jax.ShapeDtypeStruct((E, B), jnp.float32),
    )(agg1.reshape(H, B, D), W1t, W2t)


def kernel(features, adj, nodes, W1, W2):
    N, S = adj.shape
    B = nodes.shape[0]
    D = features.shape[1]
    E = W1.shape[0]
    H = S + 1

    adj32 = adj.astype(jnp.int32)
    selfcol = jnp.arange(N, dtype=jnp.int32)[:, None]
    adjx = jnp.concatenate(
        [adj32, selfcol, jnp.zeros((N, 16 - S - 1), jnp.int32)], axis=1)
    nodes32 = nodes.astype(jnp.int32)

    fidx = _sc_index_build(adjx, nodes32, B=B, H=H, N=N)
    agg1 = _sc_segment_sum(features, fidx, B=B, H=H, D=D)
    return _tc_encode(agg1, W1.T / H, W2.T / H, B=B, H=H, D=D, E=E)

# --- scband reference (transcript-rebuilt; emitter-appended) ---
"""Pipeline reference for scband-graph-aggregator-8065948582552 (READ-ONLY COPY).

The authoritative reference and input builder live on the scoring server;
editing this copy changes nothing except your own understanding.
"""

import jax, jax.numpy as jnp
import numpy as np

N = 100000
D_FEAT = 128
EMBED = 128
NUM_SAMPLE = 10
BATCH = 2048


def setup_inputs(seed: int = 0) -> dict:
    key = jax.random.key(seed)
    k1, k2, k3, k4, k5 = jax.random.split(key, 5)
    features = jax.random.normal(k1, (N, D_FEAT), dtype=jnp.float32)
    adj = jax.random.randint(k2, (N, NUM_SAMPLE), 0, N, dtype=jnp.int64)
    nodes = jax.random.randint(k3, (BATCH,), 0, N, dtype=jnp.int64)
    # Encoder layer-1 weight: [embed_dim, feature_dim] (gcn=True -> no concat)
    W1 = jax.random.normal(k4, (EMBED, D_FEAT), dtype=jnp.float32) / np.sqrt(D_FEAT)
    # Encoder layer-2 weight: [embed_dim, enc1.embed_dim]
    W2 = jax.random.normal(k5, (EMBED, EMBED), dtype=jnp.float32) / np.sqrt(EMBED)
    return {"features": features, "adj": adj, "nodes": nodes, "W1": W1, "W2": W2}


def reference(features, adj, nodes, W1, W2):
    # Two-layer GraphSAGE-GCN mean aggregation (gcn=True: self node included
    # in the mean, no concat), matching Encoder/MeanAggregator semantics.
    S = adj.shape[1]
    # layer-2 neighborhood of the seed nodes (sampled neighbors + self)
    nb2 = jnp.take(adj, nodes, axis=0)                      # [B, S]
    hood2 = jnp.concatenate([nb2, nodes[:, None]], axis=1)  # [B, S+1]
    # layer-1 neighborhoods of every node in hood2
    nb1 = jnp.take(adj, hood2, axis=0)                      # [B, S+1, S]
    hood1 = jnp.concatenate([nb1, hood2[..., None]], axis=2)  # [B, S+1, S+1]
    # gather raw features and mean-aggregate (MeanAggregatorHead, gcn)
    feats = jnp.take(features, hood1, axis=0)               # [B, S+1, S+1, d]
    agg1 = feats.mean(axis=2)                               # [B, S+1, d]
    # enc1: relu(W1 @ agg.T) -> per-node embedding
    h1 = jax.nn.relu(jnp.einsum('bnd,ed->bne', agg1, W1))   # [B, S+1, embed]
    # second mean aggregation over (neighbors + self) layer-1 embeddings
    agg2 = h1.mean(axis=1)                                  # [B, embed]
    # enc2: relu(W2 @ agg2.T), Encoder returns [embed_dim, num_nodes]
    h2 = jax.nn.relu(agg2 @ W2.T)                           # [B, embed]
    return h2.T                                             # [embed, B]


if False:  # reference __main__ guard neutralized (emitter)
    out = reference(**setup_inputs())
    print(out.shape)

if __name__ == "__main__":
    import jax
    _d = setup_inputs()
    print(jax.jit(kernel)(*tuple(_d.values())))

</pallas_src>

<mosaic_0001>
#map = affine_map<(d0, d1) -> (0, 0)>
#map1 = affine_map<(d0, d1) -> (0)>
module attributes {stable_mosaic.version = 14 : i64} {
  func.func @ka(%arg0: i32, %arg1: i32, %arg2: memref<100000x16xi32, #tpu.memory_space<hbm>>, %arg3: memref<2048xi32, #tpu.memory_space<hbm>>, %arg4: memref<247808xi32, #tpu.memory_space<hbm>>, %arg5: memref<64xi32, #tpu.memory_space<vmem>>, %arg6: memref<64x16xi32, #tpu.memory_space<vmem>>, %arg7: memref<704xi32, #tpu.memory_space<vmem>>, %arg8: memref<704x16xi32, #tpu.memory_space<vmem>>, %arg9: memref<7744xi32, #tpu.memory_space<vmem>>, %arg10: memref<!tpu.dma_semaphore, #tpu.memory_space<semaphore_mem>>) attributes {dimension_semantics = [#tpu.dimension_semantics<core_parallel>, #tpu.dimension_semantics<subcore_parallel>], iteration_bounds = array<i64: 2, 16>, scalar_prefetch = 0 : i64, scratch_operands = 6 : i64, tpu.core_type = #tpu.core_type<sc_vector_subcore>, window_params = [{transform_indices = #map}, {transform_indices = #map1}, {transform_indices = #map1}]} {
    %mul3A = arith.constant 2 : i32
    %mul3A_0 = arith.muli %arg1, %mul3A : i32
    %add3A = arith.addi %mul3A_0, %arg0 : i32
    "tpu.trace_start"() <{level = 10 : i32, message = "a_nodes"}> : () -> ()
    %mul3A_1 = arith.constant 64 : i32
    %mul3A_2 = arith.muli %add3A, %mul3A_1 : i32
    "tpu.region"() ({
      %run_scoped3A = tpu.sem_alloc : memref<!tpu.dma_semaphore, #tpu.memory_space<semaphore_mem>>
      %dma_start3A_30 = tpu.memref_slice %arg3[%mul3A_2] : memref<2048xi32, #tpu.memory_space<hbm>> -> memref<64xi32, #tpu.memory_space<hbm>>
      %dma_start3A_31 = tpu.memref_slice %arg3[%mul3A_2] : memref<2048xi32, #tpu.memory_space<hbm>> -> memref<64xi32, #tpu.memory_space<hbm>>
      tpu.enqueue_dma source(%dma_start3A_31 : memref<64xi32, #tpu.memory_space<hbm>>) target(%arg5 : memref<64xi32, #tpu.memory_space<vmem>>) target_semaphore(%run_scoped3A : memref<!tpu.dma_semaphore, #tpu.memory_space<semaphore_mem>>)
      %dma_wait3A_32 = tpu.memref_slice %arg3[%mul3A_2] : memref<2048xi32, #tpu.memory_space<hbm>> -> memref<64xi32, #tpu.memory_space<hbm>>
      %dma_wait3A_33 = tpu.memref_slice %arg3[%mul3A_2] : memref<2048xi32, #tpu.memory_space<hbm>> -> memref<64xi32, #tpu.memory_space<hbm>>
      tpu.wait_dma2 semaphore(%run_scoped3A : memref<!tpu.dma_semaphore, #tpu.memory_space<semaphore_mem>>) src(%dma_wait3A_33 : memref<64xi32, #tpu.memory_space<hbm>>) dst(%arg5 : memref<64xi32, #tpu.memory_space<vmem>>)
      tpu.yield
    }) : () -> ()
    "tpu.trace_stop"() : () -> ()
    "tpu.trace_start"() <{level = 10 : i32, message = "a_gather2"}> : () -> ()
    %dma_start3A = arith.constant 0 : i32
    %dma_start3A_3 = arith.constant 0 : i32
    %dma_start3A_4 = tpu.memref_slice %arg2[%dma_start3A, %dma_start3A_3] : memref<100000x16xi32, #tpu.memory_space<hbm>> -> memref<100000x16xi32, #tpu.memory_space<hbm>>
    tpu.enqueue_indirect_dma source(%dma_start3A_4 : memref<100000x16xi32, #tpu.memory_space<hbm>>) target(%arg6 : memref<64x16xi32, #tpu.memory_space<vmem>>) offsets(%arg5 : memref<64xi32, #tpu.memory_space<vmem>>) semaphore(%arg10 : memref<!tpu.dma_semaphore, #tpu.memory_space<semaphore_mem>>)
    %dma_wait3A = arith.constant 0 : i32
    %dma_wait3A_5 = arith.constant 0 : i32
    %dma_wait3A_6 = tpu.memref_slice %arg2[%dma_wait3A, %dma_wait3A_5] : memref<100000x16xi32, #tpu.memory_space<hbm>> -> memref<100000x16xi32, #tpu.memory_space<hbm>>
    tpu.wait_indirect_dma semaphore(%arg10 : memref<!tpu.dma_semaphore, #tpu.memory_space<semaphore_mem>>) src(%dma_wait3A_6 : memref<100000x16xi32, #tpu.memory_space<hbm>>) dst(%arg6 : memref<64x16xi32, #tpu.memory_space<vmem>>)
    "tpu.trace_stop"() : () -> ()
    %iota3A = tpu.iota {dimensions = array<i32: 0>} : vector<16xi32>
    %lt3A = arith.constant 11 : i32
    %lt3A_7 = vector.broadcast %lt3A : i32 to vector<16xi32>
    %lt3A_8 = arith.cmpi slt, %iota3A, %lt3A_7 : vector<16xi32>
    "tpu.trace_start"() <{level = 10 : i32, message = "a_compact"}> : () -> ()
    %scan3A = arith.constant 0 : i32
    %scan3A_9 = arith.constant 0 : i32
    %scan3A_10 = arith.constant 64 : i32
    %scan3A_11 = arith.addi %scan3A_9, %scan3A_10 : i32
    %scan3A_12 = arith.constant 1 : i32
    %scan3A_13 = scf.for %scan3A_30 = %scan3A_9 to %scan3A_11 step %scan3A_12 iter_args(%scan3A_31 = %scan3A) -> (i32)  : i32 {
      %get3A = arith.index_cast %scan3A_30 : i32 to index
      %get3A_32 = arith.constant 0 : index
      %get3A_33 = tpu.vector_load %arg6[%get3A, %get3A_32] {strides = array<i32>} : memref<64x16xi32, #tpu.memory_space<vmem>>, vector<16xi32>,
      %mul3A_34 = arith.constant 64 : i32
      %mul3A_35 = vector.broadcast %mul3A_34 : i32 to vector<16xi32>
      %mul3A_36 = arith.muli %iota3A, %mul3A_35 : vector<16xi32>
      %add3A_37 = vector.broadcast %scan3A_30 : i32 to vector<16xi32>
      %add3A_38 = arith.addi %mul3A_36, %add3A_37 : vector<16xi32>
      tpu.vector_store_idx %arg7[%add3A_38], %get3A_33 masked %lt3A_8 : memref<704xi32, #tpu.memory_space<vmem>>[vector<16xi32>], vector<16xi32>, vector<16xi1>
      %scan3A_39 = arith.constant 0 : i32
      scf.yield %scan3A_39 : i32
    }
    %scan3A_14 = arith.constant 64 : i32
    "tpu.trace_stop"() : () -> ()
    "tpu.trace_start"() <{level = 10 : i32, message = "a_gather1"}> : () -> ()
    %dma_start3A_15 = arith.constant 0 : i32
    %dma_start3A_16 = arith.constant 0 : i32
    %dma_start3A_17 = tpu.memref_slice %arg2[%dma_start3A_15, %dma_start3A_16] : memref<100000x16xi32, #tpu.memory_space<hbm>> -> memref<100000x16xi32, #tpu.memory_space<hbm>>
    tpu.enqueue_indirect_dma source(%dma_start3A_17 : memref<100000x16xi32, #tpu.memory_space<hbm>>) target(%arg8 : memref<704x16xi32, #tpu.memory_space<vmem>>) offsets(%arg7 : memref<704xi32, #tpu.memory_space<vmem>>) semaphore(%arg10 : memref<!tpu.dma_semaphore, #tpu.memory_space<semaphore_mem>>)
    %dma_wait3A_18 = arith.constant 0 : i32
    %dma_wait3A_19 = arith.constant 0 : i32
    %dma_wait3A_20 = tpu.memref_slice %arg2[%dma_wait3A_18, %dma_wait3A_19] : memref<100000x16xi32, #tpu.memory_space<hbm>> -> memref<100000x16xi32, #tpu.memory_space<hbm>>
    tpu.wait_indirect_dma semaphore(%arg10 : memref<!tpu.dma_semaphore, #tpu.memory_space<semaphore_mem>>) src(%dma_wait3A_20 : memref<100000x16xi32, #tpu.memory_space<hbm>>) dst(%arg8 : memref<704x16xi32, #tpu.memory_space<vmem>>)
    "tpu.trace_stop"() : () -> ()
    "tpu.trace_start"() <{level = 10 : i32, message = "a_scatterloop"}> : () -> ()
    %scan3A_21 = arith.constant 0 : i32
    %scan3A_22 = arith.constant 0 : i32
    %scan3A_23 = arith.constant 704 : i32
    %scan3A_24 = arith.addi %scan3A_22, %scan3A_23 : i32
    %scan3A_25 = arith.constant 1 : i32
    %scan3A_26 = scf.for %scan3A_30 = %scan3A_22 to %scan3A_24 step %scan3A_25 iter_args(%scan3A_31 = %scan3A_21) -> (i32)  : i32 {
      %get3A = arith.index_cast %scan3A_30 : i32 to index
      %get3A_32 = arith.constant 0 : index
      %get3A_33 = tpu.vector_load %arg8[%get3A, %get3A_32] {strides = array<i32>} : memref<704x16xi32, #tpu.memory_space<vmem>>, vector<16xi32>,
      %mul3A_34 = arith.constant 704 : i32
      %mul3A_35 = vector.broadcast %mul3A_34 : i32 to vector<16xi32>
      %mul3A_36 = arith.muli %iota3A, %mul3A_35 : vector<16xi32>
      %add3A_37 = vector.broadcast %scan3A_30 : i32 to vector<16xi32>
      %add3A_38 = arith.addi %mul3A_36, %add3A_37 : vector<16xi32>
      tpu.vector_store_idx %arg9[%add3A_38], %get3A_33 masked %lt3A_8 : memref<7744xi32, #tpu.memory_space<vmem>>[vector<16xi32>], vector<16xi32>, vector<16xi1>
      %scan3A_39 = arith.constant 0 : i32
      scf.yield %scan3A_39 : i32
    }
    %scan3A_27 = arith.constant 704 : i32
    "tpu.trace_stop"() : () -> ()
    "tpu.trace_start"() <{level = 10 : i32, message = "a_writeout"}> : () -> ()
    %mul3A_28 = arith.constant 7744 : i32
    %mul3A_29 = arith.muli %add3A, %mul3A_28 : i32
    "tpu.region"() ({
      %run_scoped3A = tpu.sem_alloc : memref<!tpu.dma_semaphore, #tpu.memory_space<semaphore_mem>>
      %dma_start3A_30 = tpu.memref_slice %arg4[%mul3A_29] : memref<247808xi32, #tpu.memory_space<hbm>> -> memref<7744xi32, #tpu.memory_space<hbm>>
      %dma_start3A_31 = tpu.memref_slice %arg4[%mul3A_29] : memref<247808xi32, #tpu.memory_space<hbm>> -> memref<7744xi32, #tpu.memory_space<hbm>>
      tpu.enqueue_dma source(%arg9 : memref<7744xi32, #tpu.memory_space<vmem>>) target(%dma_start3A_31 : memref<7744xi32, #tpu.memory_space<hbm>>) target_semaphore(%run_scoped3A : memref<!tpu.dma_semaphore, #tpu.memory_space<semaphore_mem>>)
      %dma_wait3A_32 = tpu.memref_slice %arg4[%mul3A_29] : memref<247808xi32, #tpu.memory_space<hbm>> -> memref<7744xi32, #tpu.memory_space<hbm>>
      %dma_wait3A_33 = tpu.memref_slice %arg4[%mul3A_29] : memref<247808xi32, #tpu.memory_space<hbm>> -> memref<7744xi32, #tpu.memory_space<hbm>>
      tpu.wait_dma2 semaphore(%run_scoped3A : memref<!tpu.dma_semaphore, #tpu.memory_space<semaphore_mem>>) src(%arg9 : memref<7744xi32, #tpu.memory_space<vmem>>) dst(%dma_wait3A_33 : memref<7744xi32, #tpu.memory_space<hbm>>)
      tpu.yield
    }) : () -> ()
    "tpu.trace_stop"() : () -> ()
    return
  }
}

#map = affine_map<(d0, d1) -> (0, 0)>
#map1 = affine_map<(d0, d1) -> (0)>
module attributes {stable_mosaic.version = 14 : i64} {
  func.func @kb(%arg0: i32, %arg1: i32, %arg2: memref<100000x128xf32, #tpu.memory_space<hbm>>, %arg3: memref<247808xi32, #tpu.memory_space<hbm>>, %arg4: memref<22528x128xf32, #tpu.memory_space<hbm>>, %arg5: memref<7744xi32, #tpu.memory_space<vmem>>, %arg6: memref<704x128xf32, #tpu.memory_space<vmem>>, %arg7: memref<!tpu.dma_semaphore, #tpu.memory_space<semaphore_mem>>) attributes {dimension_semantics = [#tpu.dimension_semantics<core_parallel>, #tpu.dimension_semantics<subcore_parallel>], iteration_bounds = array<i64: 2, 16>, scalar_prefetch = 0 : i64, scratch_operands = 3 : i64, tpu.core_type = #tpu.core_type<sc_vector_subcore>, window_params = [{transform_indices = #map}, {transform_indices = #map1}, {transform_indices = #map}]} {
    %mul3A = arith.constant 2 : i32
    %mul3A_0 = arith.muli %arg1, %mul3A : i32
    %add3A = arith.addi %mul3A_0, %arg0 : i32
    %mul3A_1 = arith.constant 7744 : i32
    %mul3A_2 = arith.muli %add3A, %mul3A_1 : i32
    "tpu.region"() ({
      %run_scoped3A = tpu.sem_alloc : memref<!tpu.dma_semaphore, #tpu.memory_space<semaphore_mem>>
      %dma_start3A_155 = tpu.memref_slice %arg3[%mul3A_2] : memref<247808xi32, #tpu.memory_space<hbm>> -> memref<7744xi32, #tpu.memory_space<hbm>>
      %dma_start3A_156 = tpu.memref_slice %arg3[%mul3A_2] : memref<247808xi32, #tpu.memory_space<hbm>> -> memref<7744xi32, #tpu.memory_space<hbm>>
      tpu.enqueue_dma source(%dma_start3A_156 : memref<7744xi32, #tpu.memory_space<hbm>>) target(%arg5 : memref<7744xi32, #tpu.memory_space<vmem>>) target_semaphore(%run_scoped3A : memref<!tpu.dma_semaphore, #tpu.memory_space<semaphore_mem>>)
      %dma_wait3A_157 = tpu.memref_slice %arg3[%mul3A_2] : memref<247808xi32, #tpu.memory_space<hbm>> -> memref<7744xi32, #tpu.memory_space<hbm>>
      %dma_wait3A_158 = tpu.memref_slice %arg3[%mul3A_2] : memref<247808xi32, #tpu.memory_space<hbm>> -> memref<7744xi32, #tpu.memory_space<hbm>>
      tpu.wait_dma2 semaphore(%run_scoped3A : memref<!tpu.dma_semaphore, #tpu.memory_space<semaphore_mem>>) src(%dma_wait3A_158 : memref<7744xi32, #tpu.memory_space<hbm>>) dst(%arg5 : memref<7744xi32, #tpu.memory_space<vmem>>)
      tpu.yield
    }) : () -> ()
    %dma_start3A = arith.constant 0 : i32
    %dma_start3A_3 = tpu.memref_slice %arg5[%dma_start3A] : memref<7744xi32, #tpu.memory_space<vmem>> -> memref<704xi32, #tpu.memory_space<vmem>>
    %dma_start3A_4 = arith.constant 0 : i32
    %dma_start3A_5 = arith.constant 0 : i32
    %dma_start3A_6 = tpu.memref_slice %arg2[%dma_start3A_4, %dma_start3A_5] : memref<100000x128xf32, #tpu.memory_space<hbm>> -> memref<100000x128xf32, #tpu.memory_space<hbm>>
    tpu.enqueue_indirect_dma source(%dma_start3A_6 : memref<100000x128xf32, #tpu.memory_space<hbm>>) target(%arg6 : memref<704x128xf32, #tpu.memory_space<vmem>>) offsets(%dma_start3A_3 : memref<704xi32, #tpu.memory_space<vmem>>) semaphore(%arg7 : memref<!tpu.dma_semaphore, #tpu.memory_space<semaphore_mem>>)
    %dma_wait3A = arith.constant 0 : i32
    %dma_wait3A_7 = tpu.memref_slice %arg5[%dma_wait3A] : memref<7744xi32, #tpu.memory_space<vmem>> -> memref<704xi32, #tpu.memory_space<vmem>>
    %dma_wait3A_8 = arith.constant 0 : i32
    %dma_wait3A_9 = arith.constant 0 : i32
    %dma_wait3A_10 = tpu.memref_slice %arg2[%dma_wait3A_8, %dma_wait3A_9] : memref<100000x128xf32, #tpu.memory_space<hbm>> -> memref<100000x128xf32, #tpu.memory_space<hbm>>
    tpu.wait_indirect_dma semaphore(%arg7 : memref<!tpu.dma_semaphore, #tpu.memory_space<semaphore_mem>>) src(%dma_wait3A_10 : memref<100000x128xf32, #tpu.memory_space<hbm>>) dst(%arg6 : memref<704x128xf32, #tpu.memory_space<vmem>>)
    %dma_start3A_11 = arith.constant 704 : i32
    %dma_start3A_12 = tpu.memref_slice %arg5[%dma_start3A_11] : memref<7744xi32, #tpu.memory_space<vmem>> -> memref<704xi32, #tpu.memory_space<vmem>>
    %dma_start3A_13 = arith.constant 0 : i32
    %dma_start3A_14 = arith.constant 0 : i32
    %dma_start3A_15 = tpu.memref_slice %arg2[%dma_start3A_13, %dma_start3A_14] : memref<100000x128xf32, #tpu.memory_space<hbm>> -> memref<100000x128xf32, #tpu.memory_space<hbm>>
    tpu.enqueue_indirect_dma source(%dma_start3A_15 : memref<100000x128xf32, #tpu.memory_space<hbm>>) target(%arg6 : memref<704x128xf32, #tpu.memory_space<vmem>>) offsets(%dma_start3A_12 : memref<704xi32, #tpu.memory_space<vmem>>) semaphore(%arg7 : memref<!tpu.dma_semaphore, #tpu.memory_space<semaphore_mem>>) {add = true}
    %dma_wait3A_16 = arith.constant 704 : i32
    %dma_wait3A_17 = tpu.memref_slice %arg5[%dma_wait3A_16] : memref<7744xi32, #tpu.memory_space<vmem>> -> memref<704xi32, #tpu.memory_space<vmem>>
    %dma_wait3A_18 = arith.constant 0 : i32
    %dma_wait3A_19 = arith.constant 0 : i32
    %dma_wait3A_20 = tpu.memref_slice %arg2[%dma_wait3A_18, %dma_wait3A_19] : memref<100000x128xf32, #tpu.memory_space<hbm>> -> memref<100000x128xf32, #tpu.memory_space<hbm>>
    tpu.wait_indirect_dma semaphore(%arg7 : memref<!tpu.dma_semaphore, #tpu.memory_space<semaphore_mem>>) src(%dma_wait3A_20 : memref<100000x128xf32, #tpu.memory_space<hbm>>) dst(%arg6 : memref<704x128xf32, #tpu.memory_space<vmem>>)
    %dma_start3A_21 = arith.constant 1408 : i32
    %dma_start3A_22 = tpu.memref_slice %arg5[%dma_start3A_21] : memref<7744xi32, #tpu.memory_space<vmem>> -> memref<704xi32, #tpu.memory_space<vmem>>
    %dma_start3A_23 = arith.constant 0 : i32
    %dma_start3A_24 = arith.constant 0 : i32
    %dma_start3A_25 = tpu.memref_slice %arg2[%dma_start3A_23, %dma_start3A_24] : memref<100000x128xf32, #tpu.memory_space<hbm>> -> memref<100000x128xf32, #tpu.memory_space<hbm>>
    tpu.enqueue_indirect_dma source(%dma_start3A_25 : memref<100000x128xf32, #tpu.memory_space<hbm>>) target(%arg6 : memref<704x128xf32, #tpu.memory_space<vmem>>) offsets(%dma_start3A_22 : memref<704xi32, #tpu.memory_space<vmem>>) semaphore(%arg7 : memref<!tpu.dma_semaphore, #tpu.memory_space<semaphore_mem>>) {add = true}
    %dma_wait3A_26 = arith.constant 1408 : i32
    %dma_wait3A_27 = tpu.memref_slice %arg5[%dma_wait3A_26] : memref<7744xi32, #tpu.memory_space<vmem>> -> memref<704xi32, #tpu.memory_space<vmem>>
    %dma_wait3A_28 = arith.constant 0 : i32
    %dma_wait3A_29 = arith.constant 0 : i32
    %dma_wait3A_30 = tpu.memref_slice %arg2[%dma_wait3A_28, %dma_wait3A_29] : memref<100000x128xf32, #tpu.memory_space<hbm>> -> memref<100000x128xf32, #tpu.memory_space<hbm>>
    tpu.wait_indirect_dma semaphore(%arg7 : memref<!tpu.dma_semaphore, #tpu.memory_space<semaphore_mem>>) src(%dma_wait3A_30 : memref<100000x128xf32, #tpu.memory_space<hbm>>) dst(%arg6 : memref<704x128xf32, #tpu.memory_space<vmem>>)
    %dma_start3A_31 = arith.constant 2112 : i32
    %dma_start3A_32 = tpu.memref_slice %arg5[%dma_start3A_31] : memref<7744xi32, #tpu.memory_space<vmem>> -> memref<704xi32, #tpu.memory_space<vmem>>
    %dma_start3A_33 = arith.constant 0 : i32
    %dma_start3A_34 = arith.constant 0 : i32
    %dma_start3A_35 = tpu.memref_slice %arg2[%dma_start3A_33, %dma_start3A_34] : memref<100000x128xf32, #tpu.memory_space<hbm>> -> memref<100000x128xf32, #tpu.memory_space<hbm>>
    tpu.enqueue_indirect_dma source(%dma_start3A_35 : memref<100000x128xf32, #tpu.memory_space<hbm>>) target(%arg6 : memref<704x128xf32, #tpu.memory_space<vmem>>) offsets(%dma_start3A_32 : memref<704xi32, #tpu.memory_space<vmem>>) semaphore(%arg7 : memref<!tpu.dma_semaphore, #tpu.memory_space<semaphore_mem>>) {add = true}
    %dma_wait3A_36 = arith.constant 2112 : i32
    %dma_wait3A_37 = tpu.memref_slice %arg5[%dma_wait3A_36] : memref<7744xi32, #tpu.memory_space<vmem>> -> memref<704xi32, #tpu.memory_space<vmem>>
    %dma_wait3A_38 = arith.constant 0 : i32
    %dma_wait3A_39 = arith.constant 0 : i32
    %dma_wait3A_40 = tpu.memref_slice %arg2[%dma_wait3A_38, %dma_wait3A_39] : memref<100000x128xf32, #tpu.memory_space<hbm>> -> memref<100000x128xf32, #tpu.memory_space<hbm>>
    tpu.wait_indirect_dma semaphore(%arg7 : memref<!tpu.dma_semaphore, #tpu.memory_space<semaphore_mem>>) src(%dma_wait3A_40 : memref<100000x128xf32, #tpu.memory_space<hbm>>) dst(%arg6 : memref<704x128xf32, #tpu.memory_space<vmem>>)
    %dma_start3A_41 = arith.constant 2816 : i32
    %dma_start3A_42 = tpu.memref_slice %arg5[%dma_start3A_41] : memref<7744xi32, #tpu.memory_space<vmem>> -> memref<704xi32, #tpu.memory_space<vmem>>
    %dma_start3A_43 = arith.constant 0 : i32
    %dma_start3A_44 = arith.constant 0 : i32
    %dma_start3A_45 = tpu.memref_slice %arg2[%dma_start3A_43, %dma_start3A_44] : memref<100000x128xf32, #tpu.memory_space<hbm>> -> memref<100000x128xf32, #tpu.memory_space<hbm>>
    tpu.enqueue_indirect_dma source(%dma_start3A_45 : memref<100000x128xf32, #tpu.memory_space<hbm>>) target(%arg6 : memref<704x128xf32, #tpu.memory_space<vmem>>) offsets(%dma_start3A_42 : memref<704xi32, #tpu.memory_space<vmem>>) semaphore(%arg7 : memref<!tpu.dma_semaphore, #tpu.memory_space<semaphore_mem>>) {add = true}
    %dma_wait3A_46 = arith.constant 2816 : i32
    %dma_wait3A_47 = tpu.memref_slice %arg5[%dma_wait3A_46] : memref<7744xi32, #tpu.memory_space<vmem>> -> memref<704xi32, #tpu.memory_space<vmem>>
    %dma_wait3A_48 = arith.constant 0 : i32
    %dma_wait3A_49 = arith.constant 0 : i32
    %dma_wait3A_50 = tpu.memref_slice %arg2[%dma_wait3A_48, %dma_wait3A_49] : memref<100000x128xf32, #tpu.memory_space<hbm>> -> memref<100000x128xf32, #tpu.memory_space<hbm>>
    tpu.wait_indirect_dma semaphore(%arg7 : memref<!tpu.dma_semaphore, #tpu.memory_space<semaphore_mem>>) src(%dma_wait3A_50 : memref<100000x128xf32, #tpu.memory_space<hbm>>) dst(%arg6 : memref<704x128xf32, #tpu.memory_space<vmem>>)
    %dma_start3A_51 = arith.constant 3520 : i32
    %dma_start3A_52 = tpu.memref_slice %arg5[%dma_start3A_51] : memref<7744xi32, #tpu.memory_space<vmem>> -> memref<704xi32, #tpu.memory_space<vmem>>
    %dma_start3A_53 = arith.constant 0 : i32
    %dma_start3A_54 = arith.constant 0 : i32
    %dma_start3A_55 = tpu.memref_slice %arg2[%dma_start3A_53, %dma_start3A_54] : memref<100000x128xf32, #tpu.memory_space<hbm>> -> memref<100000x128xf32, #tpu.memory_space<hbm>>
    tpu.enqueue_indirect_dma source(%dma_start3A_55 : memref<100000x128xf32, #tpu.memory_space<hbm>>) target(%arg6 : memref<704x128xf32, #tpu.memory_space<vmem>>) offsets(%dma_start3A_52 : memref<704xi32, #tpu.memory_space<vmem>>) semaphore(%arg7 : memref<!tpu.dma_semaphore, #tpu.memory_space<semaphore_mem>>) {add = true}
    %dma_wait3A_56 = arith.constant 3520 : i32
    %dma_wait3A_57 = tpu.memref_slice %arg5[%dma_wait3A_56] : memref<7744xi32, #tpu.memory_space<vmem>> -> memref<704xi32, #tpu.memory_space<vmem>>
    %dma_wait3A_58 = arith.constant 0 : i32
    %dma_wait3A_59 = arith.constant 0 : i32
    %dma_wait3A_60 = tpu.memref_slice %arg2[%dma_wait3A_58, %dma_wait3A_59] : memref<100000x128xf32, #tpu.memory_space<hbm>> -> memref<100000x128xf32, #tpu.memory_space<hbm>>
    tpu.wait_indirect_dma semaphore(%arg7 : memref<!tpu.dma_semaphore, #tpu.memory_space<semaphore_mem>>) src(%dma_wait3A_60 : memref<100000x128xf32, #tpu.memory_space<hbm>>) dst(%arg6 : memref<704x128xf32, #tpu.memory_space<vmem>>)
    %dma_start3A_61 = arith.constant 4224 : i32
    %dma_start3A_62 = tpu.memref_slice %arg5[%dma_start3A_61] : memref<7744xi32, #tpu.memory_space<vmem>> -> memref<704xi32, #tpu.memory_space<vmem>>
    %dma_start3A_63 = arith.constant 0 : i32
    %dma_start3A_64 = arith.constant 0 : i32
    %dma_start3A_65 = tpu.memref_slice %arg2[%dma_start3A_63, %dma_start3A_64] : memref<100000x128xf32, #tpu.memory_space<hbm>> -> memref<100000x128xf32, #tpu.memory_space<hbm>>
    tpu.enqueue_indirect_dma source(%dma_start3A_65 : memref<100000x128xf32, #tpu.memory_space<hbm>>) target(%arg6 : memref<704x128xf32, #tpu.memory_space<vmem>>) offsets(%dma_start3A_62 : memref<704xi32, #tpu.memory_space<vmem>>) semaphore(%arg7 : memref<!tpu.dma_semaphore, #tpu.memory_space<semaphore_mem>>) {add = true}
    %dma_wait3A_66 = arith.constant 4224 : i32
    %dma_wait3A_67 = tpu.memref_slice %arg5[%dma_wait3A_66] : memref<7744xi32, #tpu.memory_space<vmem>> -> memref<704xi32, #tpu.memory_space<vmem>>
    %dma_wait3A_68 = arith.constant 0 : i32
    %dma_wait3A_69 = arith.constant 0 : i32
    %dma_wait3A_70 = tpu.memref_slice %arg2[%dma_wait3A_68, %dma_wait3A_69] : memref<100000x128xf32, #tpu.memory_space<hbm>> -> memref<100000x128xf32, #tpu.memory_space<hbm>>
    tpu.wait_indirect_dma semaphore(%arg7 : memref<!tpu.dma_semaphore, #tpu.memory_space<semaphore_mem>>) src(%dma_wait3A_70 : memref<100000x128xf32, #tpu.memory_space<hbm>>) dst(%arg6 : memref<704x128xf32, #tpu.memory_space<vmem>>)
    %dma_start3A_71 = arith.constant 4928 : i32
    %dma_start3A_72 = tpu.memref_slice %arg5[%dma_start3A_71] : memref<7744xi32, #tpu.memory_space<vmem>> -> memref<704xi32, #tpu.memory_space<vmem>>
    %dma_start3A_73 = arith.constant 0 : i32
    %dma_start3A_74 = arith.constant 0 : i32
    %dma_start3A_75 = tpu.memref_slice %arg2[%dma_start3A_73, %dma_start3A_74] : memref<100000x128xf32, #tpu.memory_space<hbm>> -> memref<100000x128xf32, #tpu.memory_space<hbm>>
    tpu.enqueue_indirect_dma source(%dma_start3A_75 : memref<100000x128xf32, #tpu.memory_space<hbm>>) target(%arg6 : memref<704x128xf32, #tpu.memory_space<vmem>>) offsets(%dma_start3A_72 : memref<704xi32, #tpu.memory_space<vmem>>) semaphore(%arg7 : memref<!tpu.dma_semaphore, #tpu.memory_space<semaphore_mem>>) {add = true}
    %dma_wait3A_76 = arith.constant 4928 : i32
    %dma_wait3A_77 = tpu.memref_slice %arg5[%dma_wait3A_76] : memref<7744xi32, #tpu.memory_space<vmem>> -> memref<704xi32, #tpu.memory_space<vmem>>
    %dma_wait3A_78 = arith.constant 0 : i32
    %dma_wait3A_79 = arith.constant 0 : i32
    %dma_wait3A_80 = tpu.memref_slice %arg2[%dma_wait3A_78, %dma_wait3A_79] : memref<100000x128xf32, #tpu.memory_space<hbm>> -> memref<100000x128xf32, #tpu.memory_space<hbm>>
    tpu.wait_indirect_dma semaphore(%arg7 : memref<!tpu.dma_semaphore, #tpu.memory_space<semaphore_mem>>) src(%dma_wait3A_80 : memref<100000x128xf32, #tpu.memory_space<hbm>>) dst(%arg6 : memref<704x128xf32, #tpu.memory_space<vmem>>)
    %dma_start3A_81 = arith.constant 5632 : i32
    %dma_start3A_82 = tpu.memref_slice %arg5[%dma_start3A_81] : memref<7744xi32, #tpu.memory_space<vmem>> -> memref<704xi32, #tpu.memory_space<vmem>>
    %dma_start3A_83 = arith.constant 0 : i32
    %dma_start3A_84 = arith.constant 0 : i32
    %dma_start3A_85 = tpu.memref_slice %arg2[%dma_start3A_83, %dma_start3A_84] : memref<100000x128xf32, #tpu.memory_space<hbm>> -> memref<100000x128xf32, #tpu.memory_space<hbm>>
    tpu.enqueue_indirect_dma source(%dma_start3A_85 : memref<100000x128xf32, #tpu.memory_space<hbm>>) target(%arg6 : memref<704x128xf32, #tpu.memory_space<vmem>>) offsets(%dma_start3A_82 : memref<704xi32, #tpu.memory_space<vmem>>) semaphore(%arg7 : memref<!tpu.dma_semaphore, #tpu.memory_space<semaphore_mem>>) {add = true}
    %dma_wait3A_86 = arith.constant 5632 : i32
    %dma_wait3A_87 = tpu.memref_slice %arg5[%dma_wait3A_86] : memref<7744xi32, #tpu.memory_space<vmem>> -> memref<704xi32, #tpu.memory_space<vmem>>
    %dma_wait3A_88 = arith.constant 0 : i32
    %dma_wait3A_89 = arith.constant 0 : i32
    %dma_wait3A_90 = tpu.memref_slice %arg2[%dma_wait3A_88, %dma_wait3A_89] : memref<100000x128xf32, #tpu.memory_space<hbm>> -> memref<100000x128xf32, #tpu.memory_space<hbm>>
    tpu.wait_indirect_dma semaphore(%arg7 : memref<!tpu.dma_semaphore, #tpu.memory_space<semaphore_mem>>) src(%dma_wait3A_90 : memref<100000x128xf32, #tpu.memory_space<hbm>>) dst(%arg6 : memref<704x128xf32, #tpu.memory_space<vmem>>)
    %dma_start3A_91 = arith.constant 6336 : i32
    %dma_start3A_92 = tpu.memref_slice %arg5[%dma_start3A_91] : memref<7744xi32, #tpu.memory_space<vmem>> -> memref<704xi32, #tpu.memory_space<vmem>>
    %dma_start3A_93 = arith.constant 0 : i32
    %dma_start3A_94 = arith.constant 0 : i32
    %dma_start3A_95 = tpu.memref_slice %arg2[%dma_start3A_93, %dma_start3A_94] : memref<100000x128xf32, #tpu.memory_space<hbm>> -> memref<100000x128xf32, #tpu.memory_space<hbm>>
    tpu.enqueue_indirect_dma source(%dma_start3A_95 : memref<100000x128xf32, #tpu.memory_space<hbm>>) target(%arg6 : memref<704x128xf32, #tpu.memory_space<vmem>>) offsets(%dma_start3A_92 : memref<704xi32, #tpu.memory_space<vmem>>) semaphore(%arg7 : memref<!tpu.dma_semaphore, #tpu.memory_space<semaphore_mem>>) {add = true}
    %dma_wait3A_96 = arith.constant 6336 : i32
    %dma_wait3A_97 = tpu.memref_slice %arg5[%dma_wait3A_96] : memref<7744xi32, #tpu.memory_space<vmem>> -> memref<704xi32, #tpu.memory_space<vmem>>
    %dma_wait3A_98 = arith.constant 0 : i32
    %dma_wait3A_99 = arith.constant 0 : i32
    %dma_wait3A_100 = tpu.memref_slice %arg2[%dma_wait3A_98, %dma_wait3A_99] : memref<100000x128xf32, #tpu.memory_space<hbm>> -> memref<100000x128xf32, #tpu.memory_space<hbm>>
    tpu.wait_indirect_dma semaphore(%arg7 : memref<!tpu.dma_semaphore, #tpu.memory_space<semaphore_mem>>) src(%dma_wait3A_100 : memref<100000x128xf32, #tpu.memory_space<hbm>>) dst(%arg6 : memref<704x128xf32, #tpu.memory_space<vmem>>)
    %dma_start3A_101 = arith.constant 7040 : i32
    %dma_start3A_102 = tpu.memref_slice %arg5[%dma_start3A_101] : memref<7744xi32, #tpu.memory_space<vmem>> -> memref<704xi32, #tpu.memory_space<vmem>>
    %dma_start3A_103 = arith.constant 0 : i32
    %dma_start3A_104 = arith.constant 0 : i32
    %dma_start3A_105 = tpu.memref_slice %arg2[%dma_start3A_103, %dma_start3A_104] : memref<100000x128xf32, #tpu.memory_space<hbm>> -> memref<100000x128xf32, #tpu.memory_space<hbm>>
    tpu.enqueue_indirect_dma source(%dma_start3A_105 : memref<100000x128xf32, #tpu.memory_space<hbm>>) target(%arg6 : memref<704x128xf32, #tpu.memory_space<vmem>>) offsets(%dma_start3A_102 : memref<704xi32, #tpu.memory_space<vmem>>) semaphore(%arg7 : memref<!tpu.dma_semaphore, #tpu.memory_space<semaphore_mem>>) {add = true}
    %dma_wait3A_106 = arith.constant 7040 : i32
    %dma_wait3A_107 = tpu.memref_slice %arg5[%dma_wait3A_106] : memref<7744xi32, #tpu.memory_space<vmem>> -> memref<704xi32, #tpu.memory_space<vmem>>
    %dma_wait3A_108 = arith.constant 0 : i32
    %dma_wait3A_109 = arith.constant 0 : i32
    %dma_wait3A_110 = tpu.memref_slice %arg2[%dma_wait3A_108, %dma_wait3A_109] : memref<100000x128xf32, #tpu.memory_space<hbm>> -> memref<100000x128xf32, #tpu.memory_space<hbm>>
    tpu.wait_indirect_dma semaphore(%arg7 : memref<!tpu.dma_semaphore, #tpu.memory_space<semaphore_mem>>) src(%dma_wait3A_110 : memref<100000x128xf32, #tpu.memory_space<hbm>>) dst(%arg6 : memref<704x128xf32, #tpu.memory_space<vmem>>)
    %mul3A_111 = arith.constant 64 : i32
    %mul3A_112 = arith.muli %add3A, %mul3A_111 : i32
    %add3A_113 = arith.constant 0 : i32
    %add3A_114 = arith.addi %add3A_113, %mul3A_112 : i32
    "tpu.region"() ({
      %run_scoped3A = tpu.sem_alloc : memref<!tpu.dma_semaphore, #tpu.memory_space<semaphore_mem>>
      %dma_start3A_155 = arith.constant 0 : i32
      %dma_start3A_156 = arith.constant 0 : i32
      %dma_start3A_157 = tpu.memref_slice %arg6[%dma_start3A_155, %dma_start3A_156] : memref<704x128xf32, #tpu.memory_space<vmem>> -> memref<64x128xf32, #tpu.memory_space<vmem>>
      %dma_start3A_158 = arith.constant 0 : i32
      %dma_start3A_159 = tpu.memref_slice %arg4[%add3A_114, %dma_start3A_158] : memref<22528x128xf32, #tpu.memory_space<hbm>> -> memref<64x128xf32, #tpu.memory_space<hbm>>
      %dma_start3A_160 = arith.constant 0 : i32
      %dma_start3A_161 = tpu.memref_slice %arg4[%add3A_114, %dma_start3A_160] : memref<22528x128xf32, #tpu.memory_space<hbm>> -> memref<64x128xf32, #tpu.memory_space<hbm>>
      %dma_start3A_162 = arith.constant 0 : i32
      %dma_start3A_163 = arith.constant 0 : i32
      %dma_start3A_164 = tpu.memref_slice %arg6[%dma_start3A_162, %dma_start3A_163] : memref<704x128xf32, #tpu.memory_space<vmem>> -> memref<64x128xf32, #tpu.memory_space<vmem>>
      tpu.enqueue_dma source(%dma_start3A_164 : memref<64x128xf32, #tpu.memory_space<vmem>>) target(%dma_start3A_161 : memref<64x128xf32, #tpu.memory_space<hbm>>) target_semaphore(%run_scoped3A : memref<!tpu.dma_semaphore, #tpu.memory_space<semaphore_mem>>)
      %dma_wait3A_165 = arith.constant 0 : i32
      %dma_wait3A_166 = arith.constant 0 : i32
      %dma_wait3A_167 = tpu.memref_slice %arg6[%dma_wait3A_165, %dma_wait3A_166] : memref<704x128xf32, #tpu.memory_space<vmem>> -> memref<64x128xf32, #tpu.memory_space<vmem>>
      %dma_wait3A_168 = arith.constant 0 : i32
      %dma_wait3A_169 = tpu.memref_slice %arg4[%add3A_114, %dma_wait3A_168] : memref<22528x128xf32, #tpu.memory_space<hbm>> -> memref<64x128xf32, #tpu.memory_space<hbm>>
      %dma_wait3A_170 = arith.constant 0 : i32
      %dma_wait3A_171 = tpu.memref_slice %arg4[%add3A_114, %dma_wait3A_170] : memref<22528x128xf32, #tpu.memory_space<hbm>> -> memref<64x128xf32, #tpu.memory_space<hbm>>
      %dma_wait3A_172 = arith.constant 0 : i32
      %dma_wait3A_173 = arith.constant 0 : i32
      %dma_wait3A_174 = tpu.memref_slice %arg6[%dma_wait3A_172, %dma_wait3A_173] : memref<704x128xf32, #tpu.memory_space<vmem>> -> memref<64x128xf32, #tpu.memory_space<vmem>>
      tpu.wait_dma2 semaphore(%run_scoped3A : memref<!tpu.dma_semaphore, #tpu.memory_space<semaphore_mem>>) src(%dma_wait3A_174 : memref<64x128xf32, #tpu.memory_space<vmem>>) dst(%dma_wait3A_171 : memref<64x128xf32, #tpu.memory_space<hbm>>)
      tpu.yield
    }) : () -> ()
    %mul3A_115 = arith.constant 64 : i32
    %mul3A_116 = arith.muli %add3A, %mul3A_115 : i32
    %add3A_117 = arith.constant 2048 : i32
    %add3A_118 = arith.addi %add3A_117, %mul3A_116 : i32
    "tpu.region"() ({
      %run_scoped3A = tpu.sem_alloc : memref<!tpu.dma_semaphore, #tpu.memory_space<semaphore_mem>>
      %dma_start3A_155 = arith.constant 64 : i32
      %dma_start3A_156 = arith.constant 0 : i32
      %dma_start3A_157 = tpu.memref_slice %arg6[%dma_start3A_155, %dma_start3A_156] : memref<704x128xf32, #tpu.memory_space<vmem>> -> memref<64x128xf32, #tpu.memory_space<vmem>>
      %dma_start3A_158 = arith.constant 0 : i32
      %dma_start3A_159 = tpu.memref_slice %arg4[%add3A_118, %dma_start3A_158] : memref<22528x128xf32, #tpu.memory_space<hbm>> -> memref<64x128xf32, #tpu.memory_space<hbm>>
      %dma_start3A_160 = arith.constant 0 : i32
      %dma_start3A_161 = tpu.memref_slice %arg4[%add3A_118, %dma_start3A_160] : memref<22528x128xf32, #tpu.memory_space<hbm>> -> memref<64x128xf32, #tpu.memory_space<hbm>>
      %dma_start3A_162 = arith.constant 64 : i32
      %dma_start3A_163 = arith.constant 0 : i32
      %dma_start3A_164 = tpu.memref_slice %arg6[%dma_start3A_162, %dma_start3A_163] : memref<704x128xf32, #tpu.memory_space<vmem>> -> memref<64x128xf32, #tpu.memory_space<vmem>>
      tpu.enqueue_dma source(%dma_start3A_164 : memref<64x128xf32, #tpu.memory_space<vmem>>) target(%dma_start3A_161 : memref<64x128xf32, #tpu.memory_space<hbm>>) target_semaphore(%run_scoped3A : memref<!tpu.dma_semaphore, #tpu.memory_space<semaphore_mem>>)
      %dma_wait3A_165 = arith.constant 64 : i32
      %dma_wait3A_166 = arith.constant 0 : i32
      %dma_wait3A_167 = tpu.memref_slice %arg6[%dma_wait3A_165, %dma_wait3A_166] : memref<704x128xf32, #tpu.memory_space<vmem>> -> memref<64x128xf32, #tpu.memory_space<vmem>>
      %dma_wait3A_168 = arith.constant 0 : i32
      %dma_wait3A_169 = tpu.memref_slice %arg4[%add3A_118, %dma_wait3A_168] : memref<22528x128xf32, #tpu.memory_space<hbm>> -> memref<64x128xf32, #tpu.memory_space<hbm>>
      %dma_wait3A_170 = arith.constant 0 : i32
      %dma_wait3A_171 = tpu.memref_slice %arg4[%add3A_118, %dma_wait3A_170] : memref<22528x128xf32, #tpu.memory_space<hbm>> -> memref<64x128xf32, #tpu.memory_space<hbm>>
      %dma_wait3A_172 = arith.constant 64 : i32
      %dma_wait3A_173 = arith.constant 0 : i32
      %dma_wait3A_174 = tpu.memref_slice %arg6[%dma_wait3A_172, %dma_wait3A_173] : memref<704x128xf32, #tpu.memory_space<vmem>> -> memref<64x128xf32, #tpu.memory_space<vmem>>
      tpu.wait_dma2 semaphore(%run_scoped3A : memref<!tpu.dma_semaphore, #tpu.memory_space<semaphore_mem>>) src(%dma_wait3A_174 : memref<64x128xf32, #tpu.memory_space<vmem>>) dst(%dma_wait3A_171 : memref<64x128xf32, #tpu.memory_space<hbm>>)
      tpu.yield
    }) : () -> ()
    %mul3A_119 = arith.constant 64 : i32
    %mul3A_120 = arith.muli %add3A, %mul3A_119 : i32
    %add3A_121 = arith.constant 4096 : i32
    %add3A_122 = arith.addi %add3A_121, %mul3A_120 : i32
    "tpu.region"() ({
      %run_scoped3A = tpu.sem_alloc : memref<!tpu.dma_semaphore, #tpu.memory_space<semaphore_mem>>
      %dma_start3A_155 = arith.constant 128 : i32
      %dma_start3A_156 = arith.constant 0 : i32
      %dma_start3A_157 = tpu.memref_slice %arg6[%dma_start3A_155, %dma_start3A_156] : memref<704x128xf32, #tpu.memory_space<vmem>> -> memref<64x128xf32, #tpu.memory_space<vmem>>
      %dma_start3A_158 = arith.constant 0 : i32
      %dma_start3A_159 = tpu.memref_slice %arg4[%add3A_122, %dma_start3A_158] : memref<22528x128xf32, #tpu.memory_space<hbm>> -> memref<64x128xf32, #tpu.memory_space<hbm>>
      %dma_start3A_160 = arith.constant 0 : i32
      %dma_start3A_161 = tpu.memref_slice %arg4[%add3A_122, %dma_start3A_160] : memref<22528x128xf32, #tpu.memory_space<hbm>> -> memref<64x128xf32, #tpu.memory_space<hbm>>
      %dma_start3A_162 = arith.constant 128 : i32
      %dma_start3A_163 = arith.constant 0 : i32
      %dma_start3A_164 = tpu.memref_slice %arg6[%dma_start3A_162, %dma_start3A_163] : memref<704x128xf32, #tpu.memory_space<vmem>> -> memref<64x128xf32, #tpu.memory_space<vmem>>
      tpu.enqueue_dma source(%dma_start3A_164 : memref<64x128xf32, #tpu.memory_space<vmem>>) target(%dma_start3A_161 : memref<64x128xf32, #tpu.memory_space<hbm>>) target_semaphore(%run_scoped3A : memref<!tpu.dma_semaphore, #tpu.memory_space<semaphore_mem>>)
      %dma_wait3A_165 = arith.constant 128 : i32
      %dma_wait3A_166 = arith.constant 0 : i32
      %dma_wait3A_167 = tpu.memref_slice %arg6[%dma_wait3A_165, %dma_wait3A_166] : memref<704x128xf32, #tpu.memory_space<vmem>> -> memref<64x128xf32, #tpu.memory_space<vmem>>
      %dma_wait3A_168 = arith.constant 0 : i32
      %dma_wait3A_169 = tpu.memref_slice %arg4[%add3A_122, %dma_wait3A_168] : memref<22528x128xf32, #tpu.memory_space<hbm>> -> memref<64x128xf32, #tpu.memory_space<hbm>>
      %dma_wait3A_170 = arith.constant 0 : i32
      %dma_wait3A_171 = tpu.memref_slice %arg4[%add3A_122, %dma_wait3A_170] : memref<22528x128xf32, #tpu.memory_space<hbm>> -> memref<64x128xf32, #tpu.memory_space<hbm>>
      %dma_wait3A_172 = arith.constant 128 : i32
      %dma_wait3A_173 = arith.constant 0 : i32
      %dma_wait3A_174 = tpu.memref_slice %arg6[%dma_wait3A_172, %dma_wait3A_173] : memref<704x128xf32, #tpu.memory_space<vmem>> -> memref<64x128xf32, #tpu.memory_space<vmem>>
      tpu.wait_dma2 semaphore(%run_scoped3A : memref<!tpu.dma_semaphore, #tpu.memory_space<semaphore_mem>>) src(%dma_wait3A_174 : memref<64x128xf32, #tpu.memory_space<vmem>>) dst(%dma_wait3A_171 : memref<64x128xf32, #tpu.memory_space<hbm>>)
      tpu.yield
    }) : () -> ()
    %mul3A_123 = arith.constant 64 : i32
    %mul3A_124 = arith.muli %add3A, %mul3A_123 : i32
    %add3A_125 = arith.constant 6144 : i32
    %add3A_126 = arith.addi %add3A_125, %mul3A_124 : i32
    "tpu.region"() ({
      %run_scoped3A = tpu.sem_alloc : memref<!tpu.dma_semaphore, #tpu.memory_space<semaphore_mem>>
      %dma_start3A_155 = arith.constant 192 : i32
      %dma_start3A_156 = arith.constant 0 : i32
      %dma_start3A_157 = tpu.memref_slice %arg6[%dma_start3A_155, %dma_start3A_156] : memref<704x128xf32, #tpu.memory_space<vmem>> -> memref<64x128xf32, #tpu.memory_space<vmem>>
      %dma_start3A_158 = arith.constant 0 : i32
      %dma_start3A_159 = tpu.memref_slice %arg4[%add3A_126, %dma_start3A_158] : memref<22528x128xf32, #tpu.memory_space<hbm>> -> memref<64x128xf32, #tpu.memory_space<hbm>>
      %dma_start3A_160 = arith.constant 0 : i32
      %dma_start3A_161 = tpu.memref_slice %arg4[%add3A_126, %dma_start3A_160] : memref<22528x128xf32, #tpu.memory_space<hbm>> -> memref<64x128xf32, #tpu.memory_space<hbm>>
      %dma_start3A_162 = arith.constant 192 : i32
      %dma_start3A_163 = arith.constant 0 : i32
      %dma_start3A_164 = tpu.memref_slice %arg6[%dma_start3A_162, %dma_start3A_163] : memref<704x128xf32, #tpu.memory_space<vmem>> -> memref<64x128xf32, #tpu.memory_space<vmem>>
      tpu.enqueue_dma source(%dma_start3A_164 : memref<64x128xf32, #tpu.memory_space<vmem>>) target(%dma_start3A_161 : memref<64x128xf32, #tpu.memory_space<hbm>>) target_semaphore(%run_scoped3A : memref<!tpu.dma_semaphore, #tpu.memory_space<semaphore_mem>>)
      %dma_wait3A_165 = arith.constant 192 : i32
      %dma_wait3A_166 = arith.constant 0 : i32
      %dma_wait3A_167 = tpu.memref_slice %arg6[%dma_wait3A_165, %dma_wait3A_166] : memref<704x128xf32, #tpu.memory_space<vmem>> -> memref<64x128xf32, #tpu.memory_space<vmem>>
      %dma_wait3A_168 = arith.constant 0 : i32
      %dma_wait3A_169 = tpu.memref_slice %arg4[%add3A_126, %dma_wait3A_168] : memref<22528x128xf32, #tpu.memory_space<hbm>> -> memref<64x128xf32, #tpu.memory_space<hbm>>
      %dma_wait3A_170 = arith.constant 0 : i32
      %dma_wait3A_171 = tpu.memref_slice %arg4[%add3A_126, %dma_wait3A_170] : memref<22528x128xf32, #tpu.memory_space<hbm>> -> memref<64x128xf32, #tpu.memory_space<hbm>>
      %dma_wait3A_172 = arith.constant 192 : i32
      %dma_wait3A_173 = arith.constant 0 : i32
      %dma_wait3A_174 = tpu.memref_slice %arg6[%dma_wait3A_172, %dma_wait3A_173] : memref<704x128xf32, #tpu.memory_space<vmem>> -> memref<64x128xf32, #tpu.memory_space<vmem>>
      tpu.wait_dma2 semaphore(%run_scoped3A : memref<!tpu.dma_semaphore, #tpu.memory_space<semaphore_mem>>) src(%dma_wait3A_174 : memref<64x128xf32, #tpu.memory_space<vmem>>) dst(%dma_wait3A_171 : memref<64x128xf32, #tpu.memory_space<hbm>>)
      tpu.yield
    }) : () -> ()
    %mul3A_127 = arith.constant 64 : i32
    %mul3A_128 = arith.muli %add3A, %mul3A_127 : i32
    %add3A_129 = arith.constant 8192 : i32
    %add3A_130 = arith.addi %add3A_129, %mul3A_128 : i32
    "tpu.region"() ({
      %run_scoped3A = tpu.sem_alloc : memref<!tpu.dma_semaphore, #tpu.memory_space<semaphore_mem>>
      %dma_start3A_155 = arith.constant 256 : i32
      %dma_start3A_156 = arith.constant 0 : i32
      %dma_start3A_157 = tpu.memref_slice %arg6[%dma_start3A_155, %dma_start3A_156] : memref<704x128xf32, #tpu.memory_space<vmem>> -> memref<64x128xf32, #tpu.memory_space<vmem>>
      %dma_start3A_158 = arith.constant 0 : i32
      %dma_start3A_159 = tpu.memref_slice %arg4[%add3A_130, %dma_start3A_158] : memref<22528x128xf32, #tpu.memory_space<hbm>> -> memref<64x128xf32, #tpu.memory_space<hbm>>
      %dma_start3A_160 = arith.constant 0 : i32
      %dma_start3A_161 = tpu.memref_slice %arg4[%add3A_130, %dma_start3A_160] : memref<22528x128xf32, #tpu.memory_space<hbm>> -> memref<64x128xf32, #tpu.memory_space<hbm>>
      %dma_start3A_162 = arith.constant 256 : i32
      %dma_start3A_163 = arith.constant 0 : i32
      %dma_start3A_164 = tpu.memref_slice %arg6[%dma_start3A_162, %dma_start3A_163] : memref<704x128xf32, #tpu.memory_space<vmem>> -> memref<64x128xf32, #tpu.memory_space<vmem>>
      tpu.enqueue_dma source(%dma_start3A_164 : memref<64x128xf32, #tpu.memory_space<vmem>>) target(%dma_start3A_161 : memref<64x128xf32, #tpu.memory_space<hbm>>) target_semaphore(%run_scoped3A : memref<!tpu.dma_semaphore, #tpu.memory_space<semaphore_mem>>)
      %dma_wait3A_165 = arith.constant 256 : i32
      %dma_wait3A_166 = arith.constant 0 : i32
      %dma_wait3A_167 = tpu.memref_slice %arg6[%dma_wait3A_165, %dma_wait3A_166] : memref<704x128xf32, #tpu.memory_space<vmem>> -> memref<64x128xf32, #tpu.memory_space<vmem>>
      %dma_wait3A_168 = arith.constant 0 : i32
      %dma_wait3A_169 = tpu.memref_slice %arg4[%add3A_130, %dma_wait3A_168] : memref<22528x128xf32, #tpu.memory_space<hbm>> -> memref<64x128xf32, #tpu.memory_space<hbm>>
      %dma_wait3A_170 = arith.constant 0 : i32
      %dma_wait3A_171 = tpu.memref_slice %arg4[%add3A_130, %dma_wait3A_170] : memref<22528x128xf32, #tpu.memory_space<hbm>> -> memref<64x128xf32, #tpu.memory_space<hbm>>
      %dma_wait3A_172 = arith.constant 256 : i32
      %dma_wait3A_173 = arith.constant 0 : i32
      %dma_wait3A_174 = tpu.memref_slice %arg6[%dma_wait3A_172, %dma_wait3A_173] : memref<704x128xf32, #tpu.memory_space<vmem>> -> memref<64x128xf32, #tpu.memory_space<vmem>>
      tpu.wait_dma2 semaphore(%run_scoped3A : memref<!tpu.dma_semaphore, #tpu.memory_space<semaphore_mem>>) src(%dma_wait3A_174 : memref<64x128xf32, #tpu.memory_space<vmem>>) dst(%dma_wait3A_171 : memref<64x128xf32, #tpu.memory_space<hbm>>)
      tpu.yield
    }) : () -> ()
    %mul3A_131 = arith.constant 64 : i32
    %mul3A_132 = arith.muli %add3A, %mul3A_131 : i32
    %add3A_133 = arith.constant 10240 : i32
    %add3A_134 = arith.addi %add3A_133, %mul3A_132 : i32
    "tpu.region"() ({
      %run_scoped3A = tpu.sem_alloc : memref<!tpu.dma_semaphore, #tpu.memory_space<semaphore_mem>>
      %dma_start3A_155 = arith.constant 320 : i32
      %dma_start3A_156 = arith.constant 0 : i32
      %dma_start3A_157 = tpu.memref_slice %arg6[%dma_start3A_155, %dma_start3A_156] : memref<704x128xf32, #tpu.memory_space<vmem>> -> memref<64x128xf32, #tpu.memory_space<vmem>>
      %dma_start3A_158 = arith.constant 0 : i32
      %dma_start3A_159 = tpu.memref_slice %arg4[%add3A_134, %dma_start3A_158] : memref<22528x128xf32, #tpu.memory_space<hbm>> -> memref<64x128xf32, #tpu.memory_space<hbm>>
      %dma_start3A_160 = arith.constant 0 : i32
      %dma_start3A_161 = tpu.memref_slice %arg4[%add3A_134, %dma_start3A_160] : memref<22528x128xf32, #tpu.memory_space<hbm>> -> memref<64x128xf32, #tpu.memory_space<hbm>>
      %dma_start3A_162 = arith.constant 320 : i32
      %dma_start3A_163 = arith.constant 0 : i32
      %dma_start3A_164 = tpu.memref_slice %arg6[%dma_start3A_162, %dma_start3A_163] : memref<704x128xf32, #tpu.memory_space<vmem>> -> memref<64x128xf32, #tpu.memory_space<vmem>>
      tpu.enqueue_dma source(%dma_start3A_164 : memref<64x128xf32, #tpu.memory_space<vmem>>) target(%dma_start3A_161 : memref<64x128xf32, #tpu.memory_space<hbm>>) target_semaphore(%run_scoped3A : memref<!tpu.dma_semaphore, #tpu.memory_space<semaphore_mem>>)
      %dma_wait3A_165 = arith.constant 320 : i32
      %dma_wait3A_166 = arith.constant 0 : i32
      %dma_wait3A_167 = tpu.memref_slice %arg6[%dma_wait3A_165, %dma_wait3A_166] : memref<704x128xf32, #tpu.memory_space<vmem>> -> memref<64x128xf32, #tpu.memory_space<vmem>>
      %dma_wait3A_168 = arith.constant 0 : i32
      %dma_wait3A_169 = tpu.memref_slice %arg4[%add3A_134, %dma_wait3A_168] : memref<22528x128xf32, #tpu.memory_space<hbm>> -> memref<64x128xf32, #tpu.memory_space<hbm>>
      %dma_wait3A_170 = arith.constant 0 : i32
      %dma_wait3A_171 = tpu.memref_slice %arg4[%add3A_134, %dma_wait3A_170] : memref<22528x128xf32, #tpu.memory_space<hbm>> -> memref<64x128xf32, #tpu.memory_space<hbm>>
      %dma_wait3A_172 = arith.constant 320 : i32
      %dma_wait3A_173 = arith.constant 0 : i32
      %dma_wait3A_174 = tpu.memref_slice %arg6[%dma_wait3A_172, %dma_wait3A_173] : memref<704x128xf32, #tpu.memory_space<vmem>> -> memref<64x128xf32, #tpu.memory_space<vmem>>
      tpu.wait_dma2 semaphore(%run_scoped3A : memref<!tpu.dma_semaphore, #tpu.memory_space<semaphore_mem>>) src(%dma_wait3A_174 : memref<64x128xf32, #tpu.memory_space<vmem>>) dst(%dma_wait3A_171 : memref<64x128xf32, #tpu.memory_space<hbm>>)
      tpu.yield
    }) : () -> ()
    %mul3A_135 = arith.constant 64 : i32
    %mul3A_136 = arith.muli %add3A, %mul3A_135 : i32
    %add3A_137 = arith.constant 12288 : i32
    %add3A_138 = arith.addi %add3A_137, %mul3A_136 : i32
    "tpu.region"() ({
      %run_scoped3A = tpu.sem_alloc : memref<!tpu.dma_semaphore, #tpu.memory_space<semaphore_mem>>
      %dma_start3A_155 = arith.constant 384 : i32
      %dma_start3A_156 = arith.constant 0 : i32
      %dma_start3A_157 = tpu.memref_slice %arg6[%dma_start3A_155, %dma_start3A_156] : memref<704x128xf32, #tpu.memory_space<vmem>> -> memref<64x128xf32, #tpu.memory_space<vmem>>
      %dma_start3A_158 = arith.constant 0 : i32
      %dma_start3A_159 = tpu.memref_slice %arg4[%add3A_138, %dma_start3A_158] : memref<22528x128xf32, #tpu.memory_space<hbm>> -> memref<64x128xf32, #tpu.memory_space<hbm>>
      %dma_start3A_160 = arith.constant 0 : i32
      %dma_start3A_161 = tpu.memref_slice %arg4[%add3A_138, %dma_start3A_160] : memref<22528x128xf32, #tpu.memory_space<hbm>> -> memref<64x128xf32, #tpu.memory_space<hbm>>
      %dma_start3A_162 = arith.constant 384 : i32
      %dma_start3A_163 = arith.constant 0 : i32
      %dma_start3A_164 = tpu.memref_slice %arg6[%dma_start3A_162, %dma_start3A_163] : memref<704x128xf32, #tpu.memory_space<vmem>> -> memref<64x128xf32, #tpu.memory_space<vmem>>
      tpu.enqueue_dma source(%dma_start3A_164 : memref<64x128xf32, #tpu.memory_space<vmem>>) target(%dma_start3A_161 : memref<64x128xf32, #tpu.memory_space<hbm>>) target_semaphore(%run_scoped3A : memref<!tpu.dma_semaphore, #tpu.memory_space<semaphore_mem>>)
      %dma_wait3A_165 = arith.constant 384 : i32
      %dma_wait3A_166 = arith.constant 0 : i32
      %dma_wait3A_167 = tpu.memref_slice %arg6[%dma_wait3A_165, %dma_wait3A_166] : memref<704x128xf32, #tpu.memory_space<vmem>> -> memref<64x128xf32, #tpu.memory_space<vmem>>
      %dma_wait3A_168 = arith.constant 0 : i32
      %dma_wait3A_169 = tpu.memref_slice %arg4[%add3A_138, %dma_wait3A_168] : memref<22528x128xf32, #tpu.memory_space<hbm>> -> memref<64x128xf32, #tpu.memory_space<hbm>>
      %dma_wait3A_170 = arith.constant 0 : i32
      %dma_wait3A_171 = tpu.memref_slice %arg4[%add3A_138, %dma_wait3A_170] : memref<22528x128xf32, #tpu.memory_space<hbm>> -> memref<64x128xf32, #tpu.memory_space<hbm>>
      %dma_wait3A_172 = arith.constant 384 : i32
      %dma_wait3A_173 = arith.constant 0 : i32
      %dma_wait3A_174 = tpu.memref_slice %arg6[%dma_wait3A_172, %dma_wait3A_173] : memref<704x128xf32, #tpu.memory_space<vmem>> -> memref<64x128xf32, #tpu.memory_space<vmem>>
      tpu.wait_dma2 semaphore(%run_scoped3A : memref<!tpu.dma_semaphore, #tpu.memory_space<semaphore_mem>>) src(%dma_wait3A_174 : memref<64x128xf32, #tpu.memory_space<vmem>>) dst(%dma_wait3A_171 : memref<64x128xf32, #tpu.memory_space<hbm>>)
      tpu.yield
    }) : () -> ()
    %mul3A_139 = arith.constant 64 : i32
    %mul3A_140 = arith.muli %add3A, %mul3A_139 : i32
    %add3A_141 = arith.constant 14336 : i32
    %add3A_142 = arith.addi %add3A_141, %mul3A_140 : i32
    "tpu.region"() ({
      %run_scoped3A = tpu.sem_alloc : memref<!tpu.dma_semaphore, #tpu.memory_space<semaphore_mem>>
      %dma_start3A_155 = arith.constant 448 : i32
      %dma_start3A_156 = arith.constant 0 : i32
      %dma_start3A_157 = tpu.memref_slice %arg6[%dma_start3A_155, %dma_start3A_156] : memref<704x128xf32, #tpu.memory_space<vmem>> -> memref<64x128xf32, #tpu.memory_space<vmem>>
      %dma_start3A_158 = arith.constant 0 : i32
      %dma_start3A_159 = tpu.memref_slice %arg4[%add3A_142, %dma_start3A_158] : memref<22528x128xf32, #tpu.memory_space<hbm>> -> memref<64x128xf32, #tpu.memory_space<hbm>>
      %dma_start3A_160 = arith.constant 0 : i32
      %dma_start3A_161 = tpu.memref_slice %arg4[%add3A_142, %dma_start3A_160] : memref<22528x128xf32, #tpu.memory_space<hbm>> -> memref<64x128xf32, #tpu.memory_space<hbm>>
      %dma_start3A_162 = arith.constant 448 : i32
      %dma_start3A_163 = arith.constant 0 : i32
      %dma_start3A_164 = tpu.memref_slice %arg6[%dma_start3A_162, %dma_start3A_163] : memref<704x128xf32, #tpu.memory_space<vmem>> -> memref<64x128xf32, #tpu.memory_space<vmem>>
      tpu.enqueue_dma source(%dma_start3A_164 : memref<64x128xf32, #tpu.memory_space<vmem>>) target(%dma_start3A_161 : memref<64x128xf32, #tpu.memory_space<hbm>>) target_semaphore(%run_scoped3A : memref<!tpu.dma_semaphore, #tpu.memory_space<semaphore_mem>>)
      %dma_wait3A_165 = arith.constant 448 : i32
      %dma_wait3A_166 = arith.constant 0 : i32
      %dma_wait3A_167 = tpu.memref_slice %arg6[%dma_wait3A_165, %dma_wait3A_166] : memref<704x128xf32, #tpu.memory_space<vmem>> -> memref<64x128xf32, #tpu.memory_space<vmem>>
      %dma_wait3A_168 = arith.constant 0 : i32
      %dma_wait3A_169 = tpu.memref_slice %arg4[%add3A_142, %dma_wait3A_168] : memref<22528x128xf32, #tpu.memory_space<hbm>> -> memref<64x128xf32, #tpu.memory_space<hbm>>
      %dma_wait3A_170 = arith.constant 0 : i32
      %dma_wait3A_171 = tpu.memref_slice %arg4[%add3A_142, %dma_wait3A_170] : memref<22528x128xf32, #tpu.memory_space<hbm>> -> memref<64x128xf32, #tpu.memory_space<hbm>>
      %dma_wait3A_172 = arith.constant 448 : i32
      %dma_wait3A_173 = arith.constant 0 : i32
      %dma_wait3A_174 = tpu.memref_slice %arg6[%dma_wait3A_172, %dma_wait3A_173] : memref<704x128xf32, #tpu.memory_space<vmem>> -> memref<64x128xf32, #tpu.memory_space<vmem>>
      tpu.wait_dma2 semaphore(%run_scoped3A : memref<!tpu.dma_semaphore, #tpu.memory_space<semaphore_mem>>) src(%dma_wait3A_174 : memref<64x128xf32, #tpu.memory_space<vmem>>) dst(%dma_wait3A_171 : memref<64x128xf32, #tpu.memory_space<hbm>>)
      tpu.yield
    }) : () -> ()
    %mul3A_143 = arith.constant 64 : i32
    %mul3A_144 = arith.muli %add3A, %mul3A_143 : i32
    %add3A_145 = arith.constant 16384 : i32
    %add3A_146 = arith.addi %add3A_145, %mul3A_144 : i32
    "tpu.region"() ({
      %run_scoped3A = tpu.sem_alloc : memref<!tpu.dma_semaphore, #tpu.memory_space<semaphore_mem>>
      %dma_start3A_155 = arith.constant 512 : i32
      %dma_start3A_156 = arith.constant 0 : i32
      %dma_start3A_157 = tpu.memref_slice %arg6[%dma_start3A_155, %dma_start3A_156] : memref<704x128xf32, #tpu.memory_space<vmem>> -> memref<64x128xf32, #tpu.memory_space<vmem>>
      %dma_start3A_158 = arith.constant 0 : i32
      %dma_start3A_159 = tpu.memref_slice %arg4[%add3A_146, %dma_start3A_158] : memref<22528x128xf32, #tpu.memory_space<hbm>> -> memref<64x128xf32, #tpu.memory_space<hbm>>
      %dma_start3A_160 = arith.constant 0 : i32
      %dma_start3A_161 = tpu.memref_slice %arg4[%add3A_146, %dma_start3A_160] : memref<22528x128xf32, #tpu.memory_space<hbm>> -> memref<64x128xf32, #tpu.memory_space<hbm>>
      %dma_start3A_162 = arith.constant 512 : i32
      %dma_start3A_163 = arith.constant 0 : i32
      %dma_start3A_164 = tpu.memref_slice %arg6[%dma_start3A_162, %dma_start3A_163] : memref<704x128xf32, #tpu.memory_space<vmem>> -> memref<64x128xf32, #tpu.memory_space<vmem>>
      tpu.enqueue_dma source(%dma_start3A_164 : memref<64x128xf32, #tpu.memory_space<vmem>>) target(%dma_start3A_161 : memref<64x128xf32, #tpu.memory_space<hbm>>) target_semaphore(%run_scoped3A : memref<!tpu.dma_semaphore, #tpu.memory_space<semaphore_mem>>)
      %dma_wait3A_165 = arith.constant 512 : i32
      %dma_wait3A_166 = arith.constant 0 : i32
      %dma_wait3A_167 = tpu.memref_slice %arg6[%dma_wait3A_165, %dma_wait3A_166] : memref<704x128xf32, #tpu.memory_space<vmem>> -> memref<64x128xf32, #tpu.memory_space<vmem>>
      %dma_wait3A_168 = arith.constant 0 : i32
      %dma_wait3A_169 = tpu.memref_slice %arg4[%add3A_146, %dma_wait3A_168] : memref<22528x128xf32, #tpu.memory_space<hbm>> -> memref<64x128xf32, #tpu.memory_space<hbm>>
      %dma_wait3A_170 = arith.constant 0 : i32
      %dma_wait3A_171 = tpu.memref_slice %arg4[%add3A_146, %dma_wait3A_170] : memref<22528x128xf32, #tpu.memory_space<hbm>> -> memref<64x128xf32, #tpu.memory_space<hbm>>
      %dma_wait3A_172 = arith.constant 512 : i32
      %dma_wait3A_173 = arith.constant 0 : i32
      %dma_wait3A_174 = tpu.memref_slice %arg6[%dma_wait3A_172, %dma_wait3A_173] : memref<704x128xf32, #tpu.memory_space<vmem>> -> memref<64x128xf32, #tpu.memory_space<vmem>>
      tpu.wait_dma2 semaphore(%run_scoped3A : memref<!tpu.dma_semaphore, #tpu.memory_space<semaphore_mem>>) src(%dma_wait3A_174 : memref<64x128xf32, #tpu.memory_space<vmem>>) dst(%dma_wait3A_171 : memref<64x128xf32, #tpu.memory_space<hbm>>)
      tpu.yield
    }) : () -> ()
    %mul3A_147 = arith.constant 64 : i32
    %mul3A_148 = arith.muli %add3A, %mul3A_147 : i32
    %add3A_149 = arith.constant 18432 : i32
    %add3A_150 = arith.addi %add3A_149, %mul3A_148 : i32
    "tpu.region"() ({
      %run_scoped3A = tpu.sem_alloc : memref<!tpu.dma_semaphore, #tpu.memory_space<semaphore_mem>>
      %dma_start3A_155 = arith.constant 576 : i32
      %dma_start3A_156 = arith.constant 0 : i32
      %dma_start3A_157 = tpu.memref_slice %arg6[%dma_start3A_155, %dma_start3A_156] : memref<704x128xf32, #tpu.memory_space<vmem>> -> memref<64x128xf32, #tpu.memory_space<vmem>>
      %dma_start3A_158 = arith.constant 0 : i32
      %dma_start3A_159 = tpu.memref_slice %arg4[%add3A_150, %dma_start3A_158] : memref<22528x128xf32, #tpu.memory_space<hbm>> -> memref<64x128xf32, #tpu.memory_space<hbm>>
      %dma_start3A_160 = arith.constant 0 : i32
      %dma_start3A_161 = tpu.memref_slice %arg4[%add3A_150, %dma_start3A_160] : memref<22528x128xf32, #tpu.memory_space<hbm>> -> memref<64x128xf32, #tpu.memory_space<hbm>>
      %dma_start3A_162 = arith.constant 576 : i32
      %dma_start3A_163 = arith.constant 0 : i32
      %dma_start3A_164 = tpu.memref_slice %arg6[%dma_start3A_162, %dma_start3A_163] : memref<704x128xf32, #tpu.memory_space<vmem>> -> memref<64x128xf32, #tpu.memory_space<vmem>>
      tpu.enqueue_dma source(%dma_start3A_164 : memref<64x128xf32, #tpu.memory_space<vmem>>) target(%dma_start3A_161 : memref<64x128xf32, #tpu.memory_space<hbm>>) target_semaphore(%run_scoped3A : memref<!tpu.dma_semaphore, #tpu.memory_space<semaphore_mem>>)
      %dma_wait3A_165 = arith.constant 576 : i32
      %dma_wait3A_166 = arith.constant 0 : i32
      %dma_wait3A_167 = tpu.memref_slice %arg6[%dma_wait3A_165, %dma_wait3A_166] : memref<704x128xf32, #tpu.memory_space<vmem>> -> memref<64x128xf32, #tpu.memory_space<vmem>>
      %dma_wait3A_168 = arith.constant 0 : i32
      %dma_wait3A_169 = tpu.memref_slice %arg4[%add3A_150, %dma_wait3A_168] : memref<22528x128xf32, #tpu.memory_space<hbm>> -> memref<64x128xf32, #tpu.memory_space<hbm>>
      %dma_wait3A_170 = arith.constant 0 : i32
      %dma_wait3A_171 = tpu.memref_slice %arg4[%add3A_150, %dma_wait3A_170] : memref<22528x128xf32, #tpu.memory_space<hbm>> -> memref<64x128xf32, #tpu.memory_space<hbm>>
      %dma_wait3A_172 = arith.constant 576 : i32
      %dma_wait3A_173 = arith.constant 0 : i32
      %dma_wait3A_174 = tpu.memref_slice %arg6[%dma_wait3A_172, %dma_wait3A_173] : memref<704x128xf32, #tpu.memory_space<vmem>> -> memref<64x128xf32, #tpu.memory_space<vmem>>
      tpu.wait_dma2 semaphore(%run_scoped3A : memref<!tpu.dma_semaphore, #tpu.memory_space<semaphore_mem>>) src(%dma_wait3A_174 : memref<64x128xf32, #tpu.memory_space<vmem>>) dst(%dma_wait3A_171 : memref<64x128xf32, #tpu.memory_space<hbm>>)
      tpu.yield
    }) : () -> ()
    %mul3A_151 = arith.constant 64 : i32
    %mul3A_152 = arith.muli %add3A, %mul3A_151 : i32
    %add3A_153 = arith.constant 20480 : i32
    %add3A_154 = arith.addi %add3A_153, %mul3A_152 : i32
    "tpu.region"() ({
      %run_scoped3A = tpu.sem_alloc : memref<!tpu.dma_semaphore, #tpu.memory_space<semaphore_mem>>
      %dma_start3A_155 = arith.constant 640 : i32
      %dma_start3A_156 = arith.constant 0 : i32
      %dma_start3A_157 = tpu.memref_slice %arg6[%dma_start3A_155, %dma_start3A_156] : memref<704x128xf32, #tpu.memory_space<vmem>> -> memref<64x128xf32, #tpu.memory_space<vmem>>
      %dma_start3A_158 = arith.constant 0 : i32
      %dma_start3A_159 = tpu.memref_slice %arg4[%add3A_154, %dma_start3A_158] : memref<22528x128xf32, #tpu.memory_space<hbm>> -> memref<64x128xf32, #tpu.memory_space<hbm>>
      %dma_start3A_160 = arith.constant 0 : i32
      %dma_start3A_161 = tpu.memref_slice %arg4[%add3A_154, %dma_start3A_160] : memref<22528x128xf32, #tpu.memory_space<hbm>> -> memref<64x128xf32, #tpu.memory_space<hbm>>
      %dma_start3A_162 = arith.constant 640 : i32
      %dma_start3A_163 = arith.constant 0 : i32
      %dma_start3A_164 = tpu.memref_slice %arg6[%dma_start3A_162, %dma_start3A_163] : memref<704x128xf32, #tpu.memory_space<vmem>> -> memref<64x128xf32, #tpu.memory_space<vmem>>
      tpu.enqueue_dma source(%dma_start3A_164 : memref<64x128xf32, #tpu.memory_space<vmem>>) target(%dma_start3A_161 : memref<64x128xf32, #tpu.memory_space<hbm>>) target_semaphore(%run_scoped3A : memref<!tpu.dma_semaphore, #tpu.memory_space<semaphore_mem>>)
      %dma_wait3A_165 = arith.constant 640 : i32
      %dma_wait3A_166 = arith.constant 0 : i32
      %dma_wait3A_167 = tpu.memref_slice %arg6[%dma_wait3A_165, %dma_wait3A_166] : memref<704x128xf32, #tpu.memory_space<vmem>> -> memref<64x128xf32, #tpu.memory_space<vmem>>
      %dma_wait3A_168 = arith.constant 0 : i32
      %dma_wait3A_169 = tpu.memref_slice %arg4[%add3A_154, %dma_wait3A_168] : memref<22528x128xf32, #tpu.memory_space<hbm>> -> memref<64x128xf32, #tpu.memory_space<hbm>>
      %dma_wait3A_170 = arith.constant 0 : i32
      %dma_wait3A_171 = tpu.memref_slice %arg4[%add3A_154, %dma_wait3A_170] : memref<22528x128xf32, #tpu.memory_space<hbm>> -> memref<64x128xf32, #tpu.memory_space<hbm>>
      %dma_wait3A_172 = arith.constant 640 : i32
      %dma_wait3A_173 = arith.constant 0 : i32
      %dma_wait3A_174 = tpu.memref_slice %arg6[%dma_wait3A_172, %dma_wait3A_173] : memref<704x128xf32, #tpu.memory_space<vmem>> -> memref<64x128xf32, #tpu.memory_space<vmem>>
      tpu.wait_dma2 semaphore(%run_scoped3A : memref<!tpu.dma_semaphore, #tpu.memory_space<semaphore_mem>>) src(%dma_wait3A_174 : memref<64x128xf32, #tpu.memory_space<vmem>>) dst(%dma_wait3A_171 : memref<64x128xf32, #tpu.memory_space<hbm>>)
      tpu.yield
    }) : () -> ()
    return
  }
}

module attributes {stable_mosaic.version = 14 : i64} {
  func.func @body(%arg0: i32, %arg1: memref<11x512x128xf32, #tpu.memory_space<vmem>>, %arg2: memref<128x128xf32, #tpu.memory_space<vmem>>, %arg3: memref<128x128xf32, #tpu.memory_space<vmem>>, %arg4: memref<128x512xf32, #tpu.memory_space<vmem>>) attributes {dimension_semantics = [#tpu.dimension_semantics<arbitrary>], iteration_bounds = array<i64: 4>, scalar_prefetch = 0 : i64, scratch_operands = 0 : i64, tpu.core_type = #tpu.core_type<tc>, window_params = [{transform_indices = @transform_0, window_bounds = array<i64: 11, 512, 128>}, {pipeline_mode = #tpu.pipeline_mode<synchronous>, transform_indices = @transform_1, window_bounds = array<i64: 128, 128>}, {pipeline_mode = #tpu.pipeline_mode<synchronous>, transform_indices = @transform_2, window_bounds = array<i64: 128, 128>}, {transform_indices = @transform_3, window_bounds = array<i64: 128, 512>}]} {
    %get3A = arith.constant 0 : index
    %get3A_0 = arith.constant 0 : index
    %get3A_1 = vector.load %arg2[%get3A, %get3A_0] : memref<128x128xf32, #tpu.memory_space<vmem>>, vector<128x128xf32>
    %get3A_2 = arith.constant 0 : index
    %get3A_3 = arith.constant 0 : index
    %get3A_4 = arith.constant 0 : index
    %get3A_5 = vector.load %arg1[%get3A_2, %get3A_3, %get3A_4] : memref<11x512x128xf32, #tpu.memory_space<vmem>>, vector<1x512x128xf32>
    %get3A_6 = vector.shape_cast %get3A_5 : vector<1x512x128xf32> to vector<512x128xf32>
    %dot_general3A = arith.constant dense<0.000000e+00> : vector<512x128xf32>
    %dot_general3A_7 = tpu.matmul %get3A_6, %get3A_1, %dot_general3A {dimension_numbers = #tpu.dot_dimension_numbers<[1], [0], [0], [1], [0, 0, 1, 1], [], []>, transpose_lhs_hint = false} : vector<512x128xf32>, vector<128x128xf32>, vector<512x128xf32> -> vector<512x128xf32>
    %max3A = arith.constant 0.000000e+00 : f32
    %max3A_8 = vector.broadcast %max3A : f32 to vector<512x128xf32>
    %max3A_9 = arith.maximumf %dot_general3A_7, %max3A_8 : vector<512x128xf32>
    %get3A_10 = arith.constant 1 : index
    %get3A_11 = arith.constant 0 : index
    %get3A_12 = arith.constant 0 : index
    %get3A_13 = vector.load %arg1[%get3A_10, %get3A_11, %get3A_12] : memref<11x512x128xf32, #tpu.memory_space<vmem>>, vector<1x512x128xf32>
    %get3A_14 = vector.shape_cast %get3A_13 : vector<1x512x128xf32> to vector<512x128xf32>
    %dot_general3A_15 = arith.constant dense<0.000000e+00> : vector<512x128xf32>
    %dot_general3A_16 = tpu.matmul %get3A_14, %get3A_1, %dot_general3A_15 {dimension_numbers = #tpu.dot_dimension_numbers<[1], [0], [0], [1], [0, 0, 1, 1], [], []>, transpose_lhs_hint = false} : vector<512x128xf32>, vector<128x128xf32>, vector<512x128xf32> -> vector<512x128xf32>
    %max3A_17 = arith.constant 0.000000e+00 : f32
    %max3A_18 = vector.broadcast %max3A_17 : f32 to vector<512x128xf32>
    %max3A_19 = arith.maximumf %dot_general3A_16, %max3A_18 : vector<512x128xf32>
    %add3A = arith.addf %max3A_9, %max3A_19 : vector<512x128xf32>
    %get3A_20 = arith.constant 2 : index
    %get3A_21 = arith.constant 0 : index
    %get3A_22 = arith.constant 0 : index
    %get3A_23 = vector.load %arg1[%get3A_20, %get3A_21, %get3A_22] : memref<11x512x128xf32, #tpu.memory_space<vmem>>, vector<1x512x128xf32>
    %get3A_24 = vector.shape_cast %get3A_23 : vector<1x512x128xf32> to vector<512x128xf32>
    %dot_general3A_25 = arith.constant dense<0.000000e+00> : vector<512x128xf32>
    %dot_general3A_26 = tpu.matmul %get3A_24, %get3A_1, %dot_general3A_25 {dimension_numbers = #tpu.dot_dimension_numbers<[1], [0], [0], [1], [0, 0, 1, 1], [], []>, transpose_lhs_hint = false} : vector<512x128xf32>, vector<128x128xf32>, vector<512x128xf32> -> vector<512x128xf32>
    %max3A_27 = arith.constant 0.000000e+00 : f32
    %max3A_28 = vector.broadcast %max3A_27 : f32 to vector<512x128xf32>
    %max3A_29 = arith.maximumf %dot_general3A_26, %max3A_28 : vector<512x128xf32>
    %add3A_30 = arith.addf %add3A, %max3A_29 : vector<512x128xf32>
    %get3A_31 = arith.constant 3 : index
    %get3A_32 = arith.constant 0 : index
    %get3A_33 = arith.constant 0 : index
    %get3A_34 = vector.load %arg1[%get3A_31, %get3A_32, %get3A_33] : memref<11x512x128xf32, #tpu.memory_space<vmem>>, vector<1x512x128xf32>
    %get3A_35 = vector.shape_cast %get3A_34 : vector<1x512x128xf32> to vector<512x128xf32>
    %dot_general3A_36 = arith.constant dense<0.000000e+00> : vector<512x128xf32>
    %dot_general3A_37 = tpu.matmul %get3A_35, %get3A_1, %dot_general3A_36 {dimension_numbers = #tpu.dot_dimension_numbers<[1], [0], [0], [1], [0, 0, 1, 1], [], []>, transpose_lhs_hint = false} : vector<512x128xf32>, vector<128x128xf32>, vector<512x128xf32> -> vector<512x128xf32>
    %max3A_38 = arith.constant 0.000000e+00 : f32
    %max3A_39 = vector.broadcast %max3A_38 : f32 to vector<512x128xf32>
    %max3A_40 = arith.maximumf %dot_general3A_37, %max3A_39 : vector<512x128xf32>
    %add3A_41 = arith.addf %add3A_30, %max3A_40 : vector<512x128xf32>
    %get3A_42 = arith.constant 4 : index
    %get3A_43 = arith.constant 0 : index
    %get3A_44 = arith.constant 0 : index
    %get3A_45 = vector.load %arg1[%get3A_42, %get3A_43, %get3A_44] : memref<11x512x128xf32, #tpu.memory_space<vmem>>, vector<1x512x128xf32>
    %get3A_46 = vector.shape_cast %get3A_45 : vector<1x512x128xf32> to vector<512x128xf32>
    %dot_general3A_47 = arith.constant dense<0.000000e+00> : vector<512x128xf32>
    %dot_general3A_48 = tpu.matmul %get3A_46, %get3A_1, %dot_general3A_47 {dimension_numbers = #tpu.dot_dimension_numbers<[1], [0], [0], [1], [0, 0, 1, 1], [], []>, transpose_lhs_hint = false} : vector<512x128xf32>, vector<128x128xf32>, vector<512x128xf32> -> vector<512x128xf32>
    %max3A_49 = arith.constant 0.000000e+00 : f32
    %max3A_50 = vector.broadcast %max3A_49 : f32 to vector<512x128xf32>
    %max3A_51 = arith.maximumf %dot_general3A_48, %max3A_50 : vector<512x128xf32>
    %add3A_52 = arith.addf %add3A_41, %max3A_51 : vector<512x128xf32>
    %get3A_53 = arith.constant 5 : index
    %get3A_54 = arith.constant 0 : index
    %get3A_55 = arith.constant 0 : index
    %get3A_56 = vector.load %arg1[%get3A_53, %get3A_54, %get3A_55] : memref<11x512x128xf32, #tpu.memory_space<vmem>>, vector<1x512x128xf32>
    %get3A_57 = vector.shape_cast %get3A_56 : vector<1x512x128xf32> to vector<512x128xf32>
    %dot_general3A_58 = arith.constant dense<0.000000e+00> : vector<512x128xf32>
    %dot_general3A_59 = tpu.matmul %get3A_57, %get3A_1, %dot_general3A_58 {dimension_numbers = #tpu.dot_dimension_numbers<[1], [0], [0], [1], [0, 0, 1, 1], [], []>, transpose_lhs_hint = false} : vector<512x128xf32>, vector<128x128xf32>, vector<512x128xf32> -> vector<512x128xf32>
    %max3A_60 = arith.constant 0.000000e+00 : f32
    %max3A_61 = vector.broadcast %max3A_60 : f32 to vector<512x128xf32>
    %max3A_62 = arith.maximumf %dot_general3A_59, %max3A_61 : vector<512x128xf32>
    %add3A_63 = arith.addf %add3A_52, %max3A_62 : vector<512x128xf32>
    %get3A_64 = arith.constant 6 : index
    %get3A_65 = arith.constant 0 : index
    %get3A_66 = arith.constant 0 : index
    %get3A_67 = vector.load %arg1[%get3A_64, %get3A_65, %get3A_66] : memref<11x512x128xf32, #tpu.memory_space<vmem>>, vector<1x512x128xf32>
    %get3A_68 = vector.shape_cast %get3A_67 : vector<1x512x128xf32> to vector<512x128xf32>
    %dot_general3A_69 = arith.constant dense<0.000000e+00> : vector<512x128xf32>
    %dot_general3A_70 = tpu.matmul %get3A_68, %get3A_1, %dot_general3A_69 {dimension_numbers = #tpu.dot_dimension_numbers<[1], [0], [0], [1], [0, 0, 1, 1], [], []>, transpose_lhs_hint = false} : vector<512x128xf32>, vector<128x128xf32>, vector<512x128xf32> -> vector<512x128xf32>
    %max3A_71 = arith.constant 0.000000e+00 : f32
    %max3A_72 = vector.broadcast %max3A_71 : f32 to vector<512x128xf32>
    %max3A_73 = arith.maximumf %dot_general3A_70, %max3A_72 : vector<512x128xf32>
    %add3A_74 = arith.addf %add3A_63, %max3A_73 : vector<512x128xf32>
    %get3A_75 = arith.constant 7 : index
    %get3A_76 = arith.constant 0 : index
    %get3A_77 = arith.constant 0 : index
    %get3A_78 = vector.load %arg1[%get3A_75, %get3A_76, %get3A_77] : memref<11x512x128xf32, #tpu.memory_space<vmem>>, vector<1x512x128xf32>
    %get3A_79 = vector.shape_cast %get3A_78 : vector<1x512x128xf32> to vector<512x128xf32>
    %dot_general3A_80 = arith.constant dense<0.000000e+00> : vector<512x128xf32>
    %dot_general3A_81 = tpu.matmul %get3A_79, %get3A_1, %dot_general3A_80 {dimension_numbers = #tpu.dot_dimension_numbers<[1], [0], [0], [1], [0, 0, 1, 1], [], []>, transpose_lhs_hint = false} : vector<512x128xf32>, vector<128x128xf32>, vector<512x128xf32> -> vector<512x128xf32>
    %max3A_82 = arith.constant 0.000000e+00 : f32
    %max3A_83 = vector.broadcast %max3A_82 : f32 to vector<512x128xf32>
    %max3A_84 = arith.maximumf %dot_general3A_81, %max3A_83 : vector<512x128xf32>
    %add3A_85 = arith.addf %add3A_74, %max3A_84 : vector<512x128xf32>
    %get3A_86 = arith.constant 8 : index
    %get3A_87 = arith.constant 0 : index
    %get3A_88 = arith.constant 0 : index
    %get3A_89 = vector.load %arg1[%get3A_86, %get3A_87, %get3A_88] : memref<11x512x128xf32, #tpu.memory_space<vmem>>, vector<1x512x128xf32>
    %get3A_90 = vector.shape_cast %get3A_89 : vector<1x512x128xf32> to vector<512x128xf32>
    %dot_general3A_91 = arith.constant dense<0.000000e+00> : vector<512x128xf32>
    %dot_general3A_92 = tpu.matmul %get3A_90, %get3A_1, %dot_general3A_91 {dimension_numbers = #tpu.dot_dimension_numbers<[1], [0], [0], [1], [0, 0, 1, 1], [], []>, transpose_lhs_hint = false} : vector<512x128xf32>, vector<128x128xf32>, vector<512x128xf32> -> vector<512x128xf32>
    %max3A_93 = arith.constant 0.000000e+00 : f32
    %max3A_94 = vector.broadcast %max3A_93 : f32 to vector<512x128xf32>
    %max3A_95 = arith.maximumf %dot_general3A_92, %max3A_94 : vector<512x128xf32>
    %add3A_96 = arith.addf %add3A_85, %max3A_95 : vector<512x128xf32>
    %get3A_97 = arith.constant 9 : index
    %get3A_98 = arith.constant 0 : index
    %get3A_99 = arith.constant 0 : index
    %get3A_100 = vector.load %arg1[%get3A_97, %get3A_98, %get3A_99] : memref<11x512x128xf32, #tpu.memory_space<vmem>>, vector<1x512x128xf32>
    %get3A_101 = vector.shape_cast %get3A_100 : vector<1x512x128xf32> to vector<512x128xf32>
    %dot_general3A_102 = arith.constant dense<0.000000e+00> : vector<512x128xf32>
    %dot_general3A_103 = tpu.matmul %get3A_101, %get3A_1, %dot_general3A_102 {dimension_numbers = #tpu.dot_dimension_numbers<[1], [0], [0], [1], [0, 0, 1, 1], [], []>, transpose_lhs_hint = false} : vector<512x128xf32>, vector<128x128xf32>, vector<512x128xf32> -> vector<512x128xf32>
    %max3A_104 = arith.constant 0.000000e+00 : f32
    %max3A_105 = vector.broadcast %max3A_104 : f32 to vector<512x128xf32>
    %max3A_106 = arith.maximumf %dot_general3A_103, %max3A_105 : vector<512x128xf32>
    %add3A_107 = arith.addf %add3A_96, %max3A_106 : vector<512x128xf32>
    %get3A_108 = arith.constant 10 : index
    %get3A_109 = arith.constant 0 : index
    %get3A_110 = arith.constant 0 : index
    %get3A_111 = vector.load %arg1[%get3A_108, %get3A_109, %get3A_110] : memref<11x512x128xf32, #tpu.memory_space<vmem>>, vector<1x512x128xf32>
    %get3A_112 = vector.shape_cast %get3A_111 : vector<1x512x128xf32> to vector<512x128xf32>
    %dot_general3A_113 = arith.constant dense<0.000000e+00> : vector<512x128xf32>
    %dot_general3A_114 = tpu.matmul %get3A_112, %get3A_1, %dot_general3A_113 {dimension_numbers = #tpu.dot_dimension_numbers<[1], [0], [0], [1], [0, 0, 1, 1], [], []>, transpose_lhs_hint = false} : vector<512x128xf32>, vector<128x128xf32>, vector<512x128xf32> -> vector<512x128xf32>
    %max3A_115 = arith.constant 0.000000e+00 : f32
    %max3A_116 = vector.broadcast %max3A_115 : f32 to vector<512x128xf32>
    %max3A_117 = arith.maximumf %dot_general3A_114, %max3A_116 : vector<512x128xf32>
    %add3A_118 = arith.addf %add3A_107, %max3A_117 : vector<512x128xf32>
    %get3A_119 = arith.constant 0 : index
    %get3A_120 = arith.constant 0 : index
    %get3A_121 = vector.load %arg3[%get3A_119, %get3A_120] : memref<128x128xf32, #tpu.memory_space<vmem>>, vector<128x128xf32>
    %dot_general3A_122 = arith.constant dense<0.000000e+00> : vector<512x128xf32>
    %dot_general3A_123 = tpu.matmul %add3A_118, %get3A_121, %dot_general3A_122 {dimension_numbers = #tpu.dot_dimension_numbers<[1], [0], [0], [1], [0, 0, 1, 1], [], []>, transpose_lhs_hint = false} : vector<512x128xf32>, vector<128x128xf32>, vector<512x128xf32> -> vector<512x128xf32>
    %max3A_124 = arith.constant 0.000000e+00 : f32
    %max3A_125 = vector.broadcast %max3A_124 : f32 to vector<512x128xf32>
    %max3A_126 = arith.maximumf %dot_general3A_123, %max3A_125 : vector<512x128xf32>
    %transpose3A = tpu.transpose %max3A_126, [1, 0] : vector<512x128xf32> -> vector<128x512xf32>
    %swap3A = arith.constant 0 : index
    %swap3A_127 = arith.constant 0 : index
    %swap3A_128 = vector.load %arg4[%swap3A, %swap3A_127] : memref<128x512xf32, #tpu.memory_space<vmem>>, vector<128x512xf32>
    tpu.vector_store %arg4[%swap3A, %swap3A_127], %transpose3A {strides = array<i32>} : memref<128x512xf32, #tpu.memory_space<vmem>>, vector<128x512xf32>,
    return
  }
  func.func @transform_0(%arg0: i32) -> (i32, i32, i32) {
    %c0_i32 = arith.constant 0 : i32
    %c0_i32_0 = arith.constant 0 : i32
    %c0_i32_1 = arith.constant 0 : i32
    return %c0_i32, %arg0, %c0_i32_0 : i32, i32, i32
  }
  func.func @transform_1(%arg0: i32) -> (i32, i32) {
    %c0_i32 = arith.constant 0 : i32
    %c0_i32_0 = arith.constant 0 : i32
    %c0_i32_1 = arith.constant 0 : i32
    return %c0_i32, %c0_i32_0 : i32, i32
  }
  func.func @transform_2(%arg0: i32) -> (i32, i32) {
    %c0_i32 = arith.constant 0 : i32
    %c0_i32_0 = arith.constant 0 : i32
    %c0_i32_1 = arith.constant 0 : i32
    return %c0_i32, %c0_i32_0 : i32, i32
  }
  func.func @transform_3(%arg0: i32) -> (i32, i32) {
    %c0_i32 = arith.constant 0 : i32
    %c0_i32_0 = arith.constant 0 : i32
    return %c0_i32, %arg0 : i32, i32
  }
}

</mosaic_0001>

<sc_bundles>
// kernel: kernel.5.cloned.1.call-start
scs
__scs_entry_jumppad:
0x0: {  	(pc) =	sbr.rel $0x88, $3  }
0x1: {  	(tag) =	ssettag $0x0;
	lr =	simm.s32 $0x1  }
0x2: {  	[smem:$0x3F9C] =	sst lr;
	_ =	strace $0xD0000000  }
0x3: {  	_ = 	snop  }
0x4: {  	_ = 	snop  }
0x5: {  	_ = 	snop  }
0x6: {  	_ = 	snop  }
0x7: {  	_ = 	snop  }
__scs_overlays_trampoline_lowered:
0x8: {  	[smem:$0x3FAB] =	sst s0  }
0x9: {  	[smem:$0x3FAC] =	sst s1  }
0xa: {  	[smem:$0x3FAD] =	sst s2  }
0xb: {  	[smem:$0x3FAE] =	sst s3  }
0xc: {  	[smem:$0x3FAF] =	sst s4  }
0xd: {  	[smem:$0x3FB0] =	sst s5  }
0xe: {  	[smem:$0x3FB1] =	sst s6  }
0xf: {  	[smem:$0x3FB2] =	sst s7  }
0x10: {  	[smem:$0x3FB3] =	sst s8  }
0x11: {  	[smem:$0x3FB4] =	sst s9;
	s0 =	simm.s32 @!p0 $0x0  }
0x12: {  	s1 =	sld [smem:$0x3F9A];
	s0 =	simm.s32 @p0 $0x1  }
0x13: {  	[smem:$0x3FB5] =	sst s0;
	s0 =	simm.s32 @!p1 $0x0  }
0x14: {  	s2 =	sld [smem:$0x3F99];
	s0 =	simm.s32 @p1 $0x1  }
0x15: {  	[smem:$0x3FB6] =	sst s0;
	s0 =	simm.s32 @!p2 $0x0  }
0x16: {  	s3 =	sld [smem:$0x3FDB];
	s0 =	simm.s32 @p2 $0x1  }
0x17: {  	s4 =	simm.s32 $0x1BF5;
	[smem:$0x3FB8] =	sst s0  }
0x18: {  	s0 =	sld [smem:$0x3F9B];
	_ =	swait.ge [sflag:s4], $0x0  }
0x19: {  	s7 =	sld [smem:$0x3F9C]  }
0x1a: {  	s8 =	sadd.s32 $0xFFFFE003, lr  }
0x1b: {  	s9 =	sadd.s32 $0xFFFFFEF7, lr;
	s5 =	simm.s32 $0xFFFFFFFF;
	p2 =	slt.u32 s8, $0xFFFFF086  }
0x1c: {  	p1 =	slt.u32 s9, $0xF7A;
	s5 =	simm.s32 @!p2 $0x0  }
0x1d: {  	s5 =	simm.s32 @p1 $0x1;
	p0 =	seq.s32 s7, s2  }
0x1e: {  	s7 =	smul.u32 @!p0 $0xF7A, s2;
	p2 =	seq.s32 @!p0 s5, $0x0  }
0x1f: {  	s9 =	smul.u32 $0xF7A, s1;
	s8 =	simm.s32 @!p0 $0x1BF5;
	p2 =	por !p2, p0  }
0x20: {  	[sflag:s8] =	ssyncset.s32 @!p0 $0xFFFFF086;
	s6 =	sadd.s32 @!p0 s3, s7;
	s7 =	simm.s32 @!p0 $0x108  }
0x21: {  	s3 =	sadd.s32 s3, s9;
	s6 =	sadd.s32 @!p0 $0x88, s6;
	s7 =	simm.s32 @p2 $0x1082  }
0x22: {  	[simem:s7], [sflag:s8] =	dma.local @!p0 [hbm:s6], $0xF7A  }
0x23: {  	s9 =	sor.u32 $0xD0000000, s2;
	s6 =	simm.s32 $0x108;
	_ =	swait.ge @!p0 [sflag:s8], $0x0  }
0x24: {  	s3 =	sadd.s32 $0x88, s3;
	s6 =	simm.s32 @!p1 $0x1082;
	[sflag:s4] =	ssyncset.s32 $0xFFFFF086  }
0x25: {  	[simem:s6], [sflag:s4] =	dma.local [hbm:s3], $0xF7A  }
0x26: {  	[smem:$0x3F9C] =	sst s1;
	(tag) =	ssettag s2;
	_ =	strace s9  }
0x27: {  	s1 =	sld [smem:$0x3FAC]  }
0x28: {  	s2 =	sld [smem:$0x3FAD]  }
0x29: {  	s4 =	sld [smem:$0x3FAF]  }
0x2a: {  	p0 =	seq.s32 s5, $0x0;
	s5 =	sld [smem:$0x3FB0]  }
0x2b: {  	s6 =	sld [smem:$0x3FB1]  }
0x2c: {  	s7 =	sld [smem:$0x3FB2]  }
0x2d: {  	s3 =	simm.s32 $0x108;
	s8 =	sld [smem:$0x3FB3]  }
0x2e: {  	s3 =	simm.s32 @!p0 $0x1082;
	s9 =	sld [smem:$0x3FB4]  }
0x2f: {  	lr =	sadd.s32 s0, s3;
	s0 =	sld [smem:$0x3FAB]  }
0x30: {  	s3 =	sld [smem:$0x3FAE]  }
0x31: {  	[smem:$0x3FB7] =	sst s10  }
0x32: {  	s10 =	sld [smem:$0x3FB5];
	_ =	sdelay $0x3  }
0x33: {  	p0 =	seq.s32 s10, $0x1;
	s10 =	sld [smem:$0x3FB7];
	_ =	sdelay $0x3  }
0x34: {  	[smem:$0x3FB7] =	sst s10  }
0x35: {  	s10 =	sld [smem:$0x3FB6];
	_ =	sdelay $0x3  }
0x36: {  	p1 =	seq.s32 s10, $0x1;
	s10 =	sld [smem:$0x3FB7];
	_ =	sdelay $0x3  }
0x37: {  	[smem:$0x3FB7] =	sst s10  }
0x38: {  	s10 =	sld [smem:$0x3FB8]  }
0x39: {  	_ = 	snop;
	(pc) =	sbr.ind lr, $3  }
0x3a: {  	_ = 	snop  }
0x3b: {  	_ = 	snop  }
0x3c: {  	p2 =	seq.s32 s10, $0x1;
	s10 =	sld [smem:$0x3FB7]  }
0x3d: {  	_ =	shalt  }
0x3e: {  	_ =	shalt  }
0x3f: {  	_ =	shalt  }
0x40: {  	_ =	shalt  }
0x41: {  	_ =	shalt  }
0x42: {  	_ =	shalt  }
0x43: {  	_ =	shalt  }
0x44: {  	_ =	shalt  }
0x45: {  	_ =	shalt  }
0x46: {  	_ =	shalt  }
0x47: {  	_ =	shalt  }
0x48: {  	_ =	shalt  }
0x49: {  	_ =	shalt  }
0x4a: {  	_ =	shalt  }
0x4b: {  	_ =	shalt  }
0x4c: {  	_ =	shalt  }
0x4d: {  	_ =	shalt  }
0x4e: {  	_ =	shalt  }
0x4f: {  	_ =	shalt  }
0x50: {  	_ =	shalt  }
0x51: {  	_ =	shalt  }
0x52: {  	_ =	shalt  }
0x53: {  	_ =	shalt  }
0x54: {  	_ =	shalt  }
0x55: {  	_ =	shalt  }
0x56: {  	_ =	shalt  }
0x57: {  	_ =	shalt  }
0x58: {  	_ =	shalt  }
0x59: {  	_ =	shalt  }
0x5a: {  	_ =	shalt  }
0x5b: {  	_ =	shalt  }
0x5c: {  	_ =	shalt  }
0x5d: {  	_ =	shalt  }
0x5e: {  	_ =	shalt  }
0x5f: {  	_ =	shalt  }
0x60: {  	_ =	shalt  }
0x61: {  	_ =	shalt  }
0x62: {  	_ =	shalt  }
0x63: {  	_ =	shalt  }
0x64: {  	_ =	shalt  }
0x65: {  	_ =	shalt  }
0x66: {  	_ =	shalt  }
0x67: {  	_ =	shalt  }
0x68: {  	_ =	shalt  }
0x69: {  	_ =	shalt  }
0x6a: {  	_ =	shalt  }
0x6b: {  	_ =	shalt  }
0x6c: {  	_ =	shalt  }
0x6d: {  	_ =	shalt  }
0x6e: {  	_ =	shalt  }
0x6f: {  	_ =	shalt  }
0x70: {  	_ =	shalt  }
0x71: {  	_ =	shalt  }
0x72: {  	_ =	shalt  }
0x73: {  	_ =	shalt  }
0x74: {  	_ =	shalt  }
0x75: {  	_ =	shalt  }
0x76: {  	_ =	shalt  }
0x77: {  	_ =	shalt  }
0x78: {  	_ =	shalt  }
0x79: {  	_ =	shalt  }
0x7a: {  	_ =	shalt  }
0x7b: {  	_ =	shalt  }
0x7c: {  	_ =	shalt  }
0x7d: {  	_ =	shalt  }
0x7e: {  	_ =	shalt  }
0x7f: {  	_ =	shalt  }
0x80: {  	_ =	shalt  }
0x81: {  	_ =	shalt  }
0x82: {  	_ =	shalt  }
0x83: {  	_ =	shalt  }
0x84: {  	_ =	shalt  }
0x85: {  	_ =	shalt  }
0x86: {  	_ =	shalt  }
0x87: {  	_ =	shalt  }
.Lfunc_end0:
.L_simem_size_0:
called_computation_lowered:
.L_overlay_start_0:
0x88: {  	s2 =	sld [smem:$0x3FD9]  }
0x89: {  	s3 =	sld [smem:$0x3FFE];
	_ =	sdelay $0x1  }
0x8a: {  	s1 =	srdreg.scid  }
0x8b: {  	s0 =	sand.u32 $0x1, s1  }
0x8c: {  	s17 =	sshll.u32 s0, $0xA;
	s2 =	sadd.s32 s3, s2  }
0x8d: {  	s2 =	sadd.s32 s2, s17  }
0x8e: {  	[smem:$0x3FC3] =	sst s2  }
0x8f: {  	_ = 	snop  }
0x90: {  	s2 =	sld [smem:$0x3FC7]  }
0x91: {  	s18 =	sld [smem:$0x3FD0];
	(tm) =	ssettm $0x1  }
0x92: {  	s4 =	sld [smem:$0x3FFB];
	_ =	sdelay $0x3  }
0x93: {  	_ =	strace s4  }
0x94: {  	s4 =	sld [smem:$0x3FFC];
	_ =	sdelay $0x3  }
0x95: {  	_ =	strace s4  }
0x96: {  	s4 =	sld [smem:$0x3FFD];
	_ =	sdelay $0x3  }
0x97: {  	_ =	strace s4  }
0x98: {  	_ =	strace $0x8FFFFFFF  }
0x99: {  	s19 =	sld [smem:$0x3FDB];
	_ =	sdelay $0x1  }
0x9a: {  	s5 =	simm.s32 $_scs_section_size  }
0x9b: {  	s6 =	simm.s32 $_size__tile_overlayer_lowered;
	s7 =	simm.s32 $_tile_overlayer_lowered  }
0x9c: {  	s22 =	simm.s32 $0x1BFF;
	s21 =	sshll.u32 s7, $0x1;
	s4 =	sadd.s32 s5, s19  }
0x9d: {  	s8 =	simm.s32 $0x0;
	s20 =	sshll.u32 s6, $0x1;
	s6 =	sadd.s32 s21, s4  }
0x9e: {  	[timem:s8], [sflag:s22] =	dma.local [hbm:s6], s20  }
0x9f: {  	_ =	swait.ge [sflag:s22], s20  }
0xa0: {  	s5 =	ssub.s32 $0x0, s20;
	[sflag:s22] =	ssyncset.done $0x0  }
0xa1: {  	[sflag:s22] =	ssyncadd.s32 s5;
	_ =	sdelay $0x1  }
0xa2: {  	s23 =	simm.s32 $0x1B8B  }
0xa3: {  	_ =	swait.ge [sflag:s23], $0x1  }
0xa4: {  	[sflag:s23] =	ssyncset.done $0x0  }
0xa5: {  	s25 =	simm.s32 $0x1B8E;
	s24 =	sld [smem:$0x3FFE];
	[sflag:s23] =	ssyncadd.s32 $0xFFFFFFFF  }
0xa6: {  	s26 =	simm.s32 $execute0_lowered;
	[smem:$0x3FD2] =	sst s25  }
0xa7: {  	s6 =	sshll.u32 s26, $0x1;
	_ =	strace $0x80000046;
	[dreg:$0x1] =	wrdreg $0xFFFFFFFF  }
0xa8: {  	s28 =	simm.s32 $_size_execute0_lowered;
	s4 =	sadd.s32 s4, s6;
	[dreg:$0x0] =	wrdreg $0x0  }
0xa9: {  	s6 =	sshll.u32 s28, $0x1;
	[dreg:$0x2] =	wrdreg s4  }
0xaa: {  	[dreg:$0x3] =	wrdreg s6  }
0xab: {  	[dreg:$0x4] =	wrdreg $0xC0  }
0xac: {  	_ =	task [dreg:s8], $0x5FFFF  }
0xad: {  	[dreg:$0x1] =	wrdreg $0xFFFFFFFF  }
0xae: {  	[dreg:$0x0] =	wrdreg $0x60  }
0xaf: {  	[dreg:$0x2] =	wrdreg s24  }
0xb0: {  	[dreg:$0x3] =	wrdreg s2  }
0xb1: {  	[dreg:$0x4] =	wrdreg s18  }
0xb2: {  	[dreg:$0x5] =	wrdreg $0x9  }
0xb3: {  	_ =	task.clear_ibuf [dreg:s8], $0x6FFFF;
	_ =	strace $0x90000046  }
0xb4: {  	s29 =	simm.s32 $0x9;
	_ =	strace $0x8000004E  }
0xb5: {  	_ =	swait.ge [sflag:s29], $0x1  }
0xb6: {  	[sflag:s29] =	ssyncadd.s32 $0xFFFFFFFF  }
0xb7: {  	_ =	strace $0x9000004E  }
0xb8: {  	_ =	sfence  }
0xb9: {  	s30 =	sld [smem:$0x0];
	_ =	sdelay $0x2  }
0xba: {  	s31 =	sshll.u32 s1, $0xD;
	s1 =	sshrl.u32 s1, $0x2  }
0xbb: {  	s3 =	sand.u32 $0x4000, s31;
	s1 =	sadd.s32 s1, s30  }
0xbc: {  	s0 =	sor.u32 s3, s0;
	s1 =	sshll.u32 s1, $0x11  }
0xbd: {  	s0 =	sor.u32 s1, s0  }
0xbe: {  	s0 =	sadd.s32 $0x8F2B, s0  }
0xbf: {  	[sflag:s0] =	ssyncadd.remote.s32 $0x1  }
0xc0: {  	_ =	sfence.sel $0xFFFF  }
0xc1: {  	[dreg:$0x0] =	wrdreg $0xFFFFFFFF;
	(pc) =	sbr.abs _section_cstart, $3  }
0xc2: {  	[dreg:$0x1] =	wrdreg $0xFFFFFFFF  }
0xc3: {  	_ =	task.clear_ibuf [dreg:s8], $0x2FFFF;
	_ =	strace $0x9FFFFFFF  }
0xc4: {  	(tm) =	ssettm $0x7FFFFFFF  }
0xc5: {  	_ =	shalt  }
tec
execute0_lowered:
.L_overlay_start_1:
0x0: {  	(tag) =	ssettag $0x1  }
0x1: {  	s3 =	rddreg [dreg:$0x0]  }
0x2: {  	s4 =	rddreg [dreg:$0x1]  }
0x3: {  	s5 =	rddreg [dreg:$0x2]  }
0x4: {  	s0 =	rddreg [dreg:$0x3]  }
0x5: {  	s6 =	srdreg.scid;
	s1 =	stileid.u32  }
0x6: {  	s2 =	simm.s32 $0x0;
	s10 =	simm.s32 $0x2C0;
	s11 =	simm.s32 $0x3300  }
0x7: {  	s12 =	simm.s32 $0x0;
	s6 =	sand.u32 $0x1, s6;
	s7 =	sshll.u32 s1, $0x1  }
0x8: {  	[smem:$0x7FF] =	sst s2;
	s8 =	ssub.s32 $0x2, s6;
	s6 =	sor.u32 s6, s7  }
0x9: {  	s3 =	sadd.s32 $0x187A00, s3;
	s31 =	sshrl.u32 s8, $0x1;
	s9 =	smul.u32 $0x3C8, s6  }
0xa: {  	_ =	strace $0x80000047;
	s6 =	sshll.u32 s6, $0x3;
	s7 =	ssub.s32 s8, s31  }
0xb: {  	v1 =	vlaneseq.u32;
	s4 =	sadd.s32 s4, s6;
	s8 =	simm.s32 $0x1;
	s5 =	sadd.s32 s5, s9  }
0xc: {  	v0 =	vmul.u32 $0x40, v1;
	v1 =	vmul.u32 $0x2C0, v1;
	s6 =	smax.u32 s7, $0x1;
	s7 =	simm.s32 $0x2;
	s9 =	simm.s32 $0x440  }
.LBB2_1:
0xd: {  	_ =	strace $0x80000048  }
0xe: {  	[tilespmem:s2], [sflag:$0x2] =	stream.linear.gather [hbm4b:s4+s2], $0x40, $0x200038;
	[tilespmem:$0x5140] =	vst v63  }
0xf: {  	_ =	swait.ge [sflag:s7], $0x40  }
0x10: {  	[sflag:s7] =	ssyncset.done $0x0  }
0x11: {  	[sflag:s7] =	ssyncadd.s32 $0xFFFFFFC0  }
0x12: {  	_ =	strace $0x90000048  }
0x13: {  	s13 =	simm.s32 $0x40;
	_ =	strace $0x80000049  }
0x14: {  	[tilespmem:s13], [sflag:$0x1] =	stream.indirect.gather [hbm4b:s3+s13], $0x10, s2, s13, $0x2000b8;
	[tilespmem:$0x5140] =	vst v63  }
0x15: {  	_ =	swait.ge [sflag:s8], $0x400  }
0x16: {  	[sflag:s8] =	ssyncset.done $0x0  }
0x17: {  	[sflag:s8] =	ssyncadd.s32 $0xFFFFFC00  }
0x18: {  	_ =	strace $0x90000049  }
0x19: {  	_ =	strace $0x8000004A  }
0x1a: {  	s14 =	simm.s32 $0x1;
	v3 =	vor.u32 s2, v0;
	v2 =	vld [tilespmem:s13+$0x0]  }
.LBB2_2:
0x1b: {  	p0 =	sne.s32 s14, $0x3F  }
.Ltmp0:
0x1c: {  	_ = 	snop;
	(pc) =	sbr.rel @p0 .LBB2_2-.Ltmp0, $3  }
0x1d: {  	_ =	sdelay $0x1  }
0x1e: {  	s13 =	sadd.s32 $0x10, s13;
	s15 =	smov.u32 s14;
	s14 =	sadd.s32 $0x1, s14;
	[tilespmem:v3+s9+$0x0] =	vst.idx.msk $0x7ff, v2  }
0x1f: {  	v3 =	vor.u32 s15, v0;
	v2 =	vld [tilespmem:s13+$0x0]  }
0x20: {  	_ =	sdelay $0x3  }
0x21: {  	[tilespmem:v3+s9+$0x0] =	vst.idx.msk $0x7ff, v2  }
0x22: {  	_ =	strace $0x9000004A  }
0x23: {  	s13 =	simm.s32 $0x700;
	_ =	strace $0x8000004B  }
0x24: {  	[tilespmem:s13], [sflag:$0x1] =	stream.indirect.gather [hbm4b:s3+s10], $0x10, s9, s10, $0x2000b8;
	[tilespmem:$0x5140] =	vst v63  }
0x25: {  	_ =	swait.ge [sflag:s8], $0x2C00  }
0x26: {  	[sflag:s8] =	ssyncset.done $0x0  }
0x27: {  	[sflag:s8] =	ssyncadd.s32 $0xFFFFD400  }
0x28: {  	_ =	strace $0x9000004B  }
0x29: {  	s15 =	simm.s32 $0x0;
	_ =	strace $0x8000004C  }
0x2a: {  	s14 =	simm.s32 $0x1;
	v3 =	vadd.s32 s15, v1;
	v2 =	vld [tilespmem:s13+$0x0]  }
.LBB2_4:
0x2b: {  	p0 =	sne.s32 s14, $0x2BF  }
.Ltmp1:
0x2c: {  	_ = 	snop;
	(pc) =	sbr.rel @p0 .LBB2_4-.Ltmp1, $3  }
0x2d: {  	_ =	sdelay $0x1  }
0x2e: {  	s13 =	sadd.s32 $0x10, s13;
	s15 =	smov.u32 s14;
	s14 =	sadd.s32 $0x1, s14;
	[tilespmem:v3+s11+$0x0] =	vst.idx.msk $0x7ff, v2  }
0x2f: {  	v3 =	vadd.s32 s15, v1;
	v2 =	vld [tilespmem:s13+$0x0]  }
0x30: {  	_ =	sdelay $0x3  }
0x31: {  	[tilespmem:v3+s11+$0x0] =	vst.idx.msk $0x7ff, v2  }
0x32: {  	s12 =	sadd.s32 $0x1, s12;
	_ =	strace $0x9000004C  }
0x33: {  	p0 =	sne.s32 s12, s6;
	_ =	strace $0x8000004D  }
0x34: {  	[hbm4b:s5+s2] =	stream.linear.scatter [tilespmem:s11], [sflag:$0x2], $0x1E40, $0x200038;
	[tilespmem:$0x5140] =	vst v63  }
.Ltmp2:
0x35: {  	_ = 	snop;
	(pc) =	sbr.rel @p0 .LBB2_1-.Ltmp2, $4  }
0x36: {  	_ =	swait.ge [sflag:s7], $0x1E40  }
0x37: {  	[sflag:s7] =	ssyncset.done $0x0  }
0x38: {  	[sflag:s7] =	ssyncadd.s32 $0xFFFFE1C0  }
0x39: {  	_ =	strace $0x9000004D  }
0x3a: {  	_ =	sfence.sel $0x180000  }
0x3b: {  	[bflag:$0x0] =	sbarrier.arrive $0xFFFF  }
0x3c: {  	p0 =	sne.s32 s1, $0x0;
	_ =	strace $0x90000047  }
0x3d: {  	s0 =	sadd.s32 @!p0 $0x100000, s0;
	[bflag:$0x2] =	sbarrier.arrive $0xFFFF  }
0x3e: {  	[sflag:s0] =	ssyncadd.tile.s32 @!p0 $0x1;
	_ =	shalt  }
.Lfunc_end2:
_tile_overlayer_lowered:
.L_overlay_start_2:
0x3f: {  	(tag) =	ssettag $0x2  }
0x40: {  	s0 =	rddreg [dreg:$0x0];
	s2 =	stileid.u32  }
0x41: {  	s1 =	rddreg [dreg:$0x1];
	p0 =	sne.s32 s2, $0x0  }
0x42: {  	s3 =	rddreg [dreg:$0x2];
	[bflag:$0x3] =	sbarrier.arrive $0xFFFF;
	s2 =	simm.s32 @!p0 $0x1C02  }
0x43: {  	[timem:s3], [sflag:s2] =	dma.local @!p0 [hbm:s0], s1  }
0x44: {  	s0 =	simm.s32 @!p0 $0x2  }
0x45: {  	_ =	swait.ge @!p0 [sflag:s0], s1  }
0x46: {  	s1 =	ssub.s32 @!p0 $0x0, s1;
	[sflag:s0] =	ssyncset.done @!p0 $0x0  }
0x47: {  	[sflag:s0] =	ssyncadd.s32 @!p0 s1  }
0x48: {  	[bflag:$0x3] =	sbarrier.arrive $0xFFFF  }
0x49: {  	_ =	shalt  }

// kernel: kernel.8.cloned.1.call-start
scs
__scs_entry_jumppad:
0x0: {  	(pc) =	sbr.rel $0x88, $3  }
0x1: {  	(tag) =	ssettag $0x0;
	lr =	simm.s32 $0x1  }
0x2: {  	[smem:$0x3F9C] =	sst lr;
	_ =	strace $0xD0000000  }
0x3: {  	_ = 	snop  }
0x4: {  	_ = 	snop  }
0x5: {  	_ = 	snop  }
0x6: {  	_ = 	snop  }
0x7: {  	_ = 	snop  }
__scs_overlays_trampoline_lowered:
0x8: {  	[smem:$0x3FAB] =	sst s0  }
0x9: {  	[smem:$0x3FAC] =	sst s1  }
0xa: {  	[smem:$0x3FAD] =	sst s2  }
0xb: {  	[smem:$0x3FAE] =	sst s3  }
0xc: {  	[smem:$0x3FAF] =	sst s4  }
0xd: {  	[smem:$0x3FB0] =	sst s5  }
0xe: {  	[smem:$0x3FB1] =	sst s6  }
0xf: {  	[smem:$0x3FB2] =	sst s7  }
0x10: {  	[smem:$0x3FB3] =	sst s8  }
0x11: {  	[smem:$0x3FB4] =	sst s9;
	s0 =	simm.s32 @!p0 $0x0  }
0x12: {  	s1 =	sld [smem:$0x3F9A];
	s0 =	simm.s32 @p0 $0x1  }
0x13: {  	[smem:$0x3FB5] =	sst s0;
	s0 =	simm.s32 @!p1 $0x0  }
0x14: {  	s2 =	sld [smem:$0x3F99];
	s0 =	simm.s32 @p1 $0x1  }
0x15: {  	[smem:$0x3FB6] =	sst s0;
	s0 =	simm.s32 @!p2 $0x0  }
0x16: {  	s3 =	sld [smem:$0x3FDB];
	s0 =	simm.s32 @p2 $0x1  }
0x17: {  	s4 =	simm.s32 $0x1BF5;
	[smem:$0x3FB8] =	sst s0  }
0x18: {  	s0 =	sld [smem:$0x3F9B];
	_ =	swait.ge [sflag:s4], $0x0  }
0x19: {  	s7 =	sld [smem:$0x3F9C]  }
0x1a: {  	s8 =	sadd.s32 $0xFFFFE003, lr  }
0x1b: {  	s9 =	sadd.s32 $0xFFFFFEF7, lr;
	s5 =	simm.s32 $0xFFFFFFFF;
	p2 =	slt.u32 s8, $0xFFFFF086  }
0x1c: {  	p1 =	slt.u32 s9, $0xF7A;
	s5 =	simm.s32 @!p2 $0x0  }
0x1d: {  	s5 =	simm.s32 @p1 $0x1;
	p0 =	seq.s32 s7, s2  }
0x1e: {  	s7 =	smul.u32 @!p0 $0xF7A, s2;
	p2 =	seq.s32 @!p0 s5, $0x0  }
0x1f: {  	s9 =	smul.u32 $0xF7A, s1;
	s8 =	simm.s32 @!p0 $0x1BF5;
	p2 =	por !p2, p0  }
0x20: {  	[sflag:s8] =	ssyncset.s32 @!p0 $0xFFFFF086;
	s6 =	sadd.s32 @!p0 s3, s7;
	s7 =	simm.s32 @!p0 $0x108  }
0x21: {  	s3 =	sadd.s32 s3, s9;
	s6 =	sadd.s32 @!p0 $0x88, s6;
	s7 =	simm.s32 @p2 $0x1082  }
0x22: {  	[simem:s7], [sflag:s8] =	dma.local @!p0 [hbm:s6], $0xF7A  }
0x23: {  	s9 =	sor.u32 $0xD0000000, s2;
	s6 =	simm.s32 $0x108;
	_ =	swait.ge @!p0 [sflag:s8], $0x0  }
0x24: {  	s3 =	sadd.s32 $0x88, s3;
	s6 =	simm.s32 @!p1 $0x1082;
	[sflag:s4] =	ssyncset.s32 $0xFFFFF086  }
0x25: {  	[simem:s6], [sflag:s4] =	dma.local [hbm:s3], $0xF7A  }
0x26: {  	[smem:$0x3F9C] =	sst s1;
	(tag) =	ssettag s2;
	_ =	strace s9  }
0x27: {  	s1 =	sld [smem:$0x3FAC]  }
0x28: {  	s2 =	sld [smem:$0x3FAD]  }
0x29: {  	s4 =	sld [smem:$0x3FAF]  }
0x2a: {  	p0 =	seq.s32 s5, $0x0;
	s5 =	sld [smem:$0x3FB0]  }
0x2b: {  	s6 =	sld [smem:$0x3FB1]  }
0x2c: {  	s7 =	sld [smem:$0x3FB2]  }
0x2d: {  	s3 =	simm.s32 $0x108;
	s8 =	sld [smem:$0x3FB3]  }
0x2e: {  	s3 =	simm.s32 @!p0 $0x1082;
	s9 =	sld [smem:$0x3FB4]  }
0x2f: {  	lr =	sadd.s32 s0, s3;
	s0 =	sld [smem:$0x3FAB]  }
0x30: {  	s3 =	sld [smem:$0x3FAE]  }
0x31: {  	[smem:$0x3FB7] =	sst s10  }
0x32: {  	s10 =	sld [smem:$0x3FB5];
	_ =	sdelay $0x3  }
0x33: {  	p0 =	seq.s32 s10, $0x1;
	s10 =	sld [smem:$0x3FB7];
	_ =	sdelay $0x3  }
0x34: {  	[smem:$0x3FB7] =	sst s10  }
0x35: {  	s10 =	sld [smem:$0x3FB6];
	_ =	sdelay $0x3  }
0x36: {  	p1 =	seq.s32 s10, $0x1;
	s10 =	sld [smem:$0x3FB7];
	_ =	sdelay $0x3  }
0x37: {  	[smem:$0x3FB7] =	sst s10  }
0x38: {  	s10 =	sld [smem:$0x3FB8]  }
0x39: {  	_ = 	snop;
	(pc) =	sbr.ind lr, $3  }
0x3a: {  	_ = 	snop  }
0x3b: {  	_ = 	snop  }
0x3c: {  	p2 =	seq.s32 s10, $0x1;
	s10 =	sld [smem:$0x3FB7]  }
0x3d: {  	_ =	shalt  }
0x3e: {  	_ =	shalt  }
0x3f: {  	_ =	shalt  }
0x40: {  	_ =	shalt  }
0x41: {  	_ =	shalt  }
0x42: {  	_ =	shalt  }
0x43: {  	_ =	shalt  }
0x44: {  	_ =	shalt  }
0x45: {  	_ =	shalt  }
0x46: {  	_ =	shalt  }
0x47: {  	_ =	shalt  }
0x48: {  	_ =	shalt  }
0x49: {  	_ =	shalt  }
0x4a: {  	_ =	shalt  }
0x4b: {  	_ =	shalt  }
0x4c: {  	_ =	shalt  }
0x4d: {  	_ =	shalt  }
0x4e: {  	_ =	shalt  }
0x4f: {  	_ =	shalt  }
0x50: {  	_ =	shalt  }
0x51: {  	_ =	shalt  }
0x52: {  	_ =	shalt  }
0x53: {  	_ =	shalt  }
0x54: {  	_ =	shalt  }
0x55: {  	_ =	shalt  }
0x56: {  	_ =	shalt  }
0x57: {  	_ =	shalt  }
0x58: {  	_ =	shalt  }
0x59: {  	_ =	shalt  }
0x5a: {  	_ =	shalt  }
0x5b: {  	_ =	shalt  }
0x5c: {  	_ =	shalt  }
0x5d: {  	_ =	shalt  }
0x5e: {  	_ =	shalt  }
0x5f: {  	_ =	shalt  }
0x60: {  	_ =	shalt  }
0x61: {  	_ =	shalt  }
0x62: {  	_ =	shalt  }
0x63: {  	_ =	shalt  }
0x64: {  	_ =	shalt  }
0x65: {  	_ =	shalt  }
0x66: {  	_ =	shalt  }
0x67: {  	_ =	shalt  }
0x68: {  	_ =	shalt  }
0x69: {  	_ =	shalt  }
0x6a: {  	_ =	shalt  }
0x6b: {  	_ =	shalt  }
0x6c: {  	_ =	shalt  }
0x6d: {  	_ =	shalt  }
0x6e: {  	_ =	shalt  }
0x6f: {  	_ =	shalt  }
0x70: {  	_ =	shalt  }
0x71: {  	_ =	shalt  }
0x72: {  	_ =	shalt  }
0x73: {  	_ =	shalt  }
0x74: {  	_ =	shalt  }
0x75: {  	_ =	shalt  }
0x76: {  	_ =	shalt  }
0x77: {  	_ =	shalt  }
0x78: {  	_ =	shalt  }
0x79: {  	_ =	shalt  }
0x7a: {  	_ =	shalt  }
0x7b: {  	_ =	shalt  }
0x7c: {  	_ =	shalt  }
0x7d: {  	_ =	shalt  }
0x7e: {  	_ =	shalt  }
0x7f: {  	_ =	shalt  }
0x80: {  	_ =	shalt  }
0x81: {  	_ =	shalt  }
0x82: {  	_ =	shalt  }
0x83: {  	_ =	shalt  }
0x84: {  	_ =	shalt  }
0x85: {  	_ =	shalt  }
0x86: {  	_ =	shalt  }
0x87: {  	_ =	shalt  }
.Lfunc_end0:
.L_simem_size_0:
called_computation.1_lowered:
.L_overlay_start_0:
0x88: {  	s2 =	sld [smem:$0x3FD9]  }
0x89: {  	s3 =	sld [smem:$0x3FFE];
	_ =	sdelay $0x1  }
0x8a: {  	s1 =	srdreg.scid  }
0x8b: {  	s0 =	sand.u32 $0x1, s1  }
0x8c: {  	s17 =	sshll.u32 s0, $0xA;
	s2 =	sadd.s32 s3, s2  }
0x8d: {  	s2 =	sadd.s32 s2, s17  }
0x8e: {  	[smem:$0x3FC3] =	sst s2  }
0x8f: {  	_ = 	snop  }
0x90: {  	s2 =	sld [smem:$0x3FC9]  }
0x91: {  	s18 =	sld [smem:$0x3FD0];
	(tm) =	ssettm $0x1  }
0x92: {  	s4 =	sld [smem:$0x3FFB];
	_ =	sdelay $0x3  }
0x93: {  	_ =	strace s4  }
0x94: {  	s4 =	sld [smem:$0x3FFC];
	_ =	sdelay $0x3  }
0x95: {  	_ =	strace s4  }
0x96: {  	s4 =	sld [smem:$0x3FFD];
	_ =	sdelay $0x3  }
0x97: {  	_ =	strace s4  }
0x98: {  	_ =	strace $0x8FFFFFFF  }
0x99: {  	s19 =	sld [smem:$0x3FDB];
	_ =	sdelay $0x1  }
0x9a: {  	s5 =	simm.s32 $_scs_section_size  }
0x9b: {  	s6 =	simm.s32 $_size__tile_overlayer_lowered;
	s7 =	simm.s32 $_tile_overlayer_lowered  }
0x9c: {  	s22 =	simm.s32 $0x1BFF;
	s21 =	sshll.u32 s7, $0x1;
	s4 =	sadd.s32 s5, s19  }
0x9d: {  	s8 =	simm.s32 $0x0;
	s20 =	sshll.u32 s6, $0x1;
	s6 =	sadd.s32 s21, s4  }
0x9e: {  	[timem:s8], [sflag:s22] =	dma.local [hbm:s6], s20  }
0x9f: {  	_ =	swait.ge [sflag:s22], s20  }
0xa0: {  	s5 =	ssub.s32 $0x0, s20;
	[sflag:s22] =	ssyncset.done $0x0  }
0xa1: {  	[sflag:s22] =	ssyncadd.s32 s5;
	_ =	sdelay $0x1  }
0xa2: {  	s23 =	simm.s32 $0x1B8B  }
0xa3: {  	_ =	swait.ge [sflag:s23], $0x1  }
0xa4: {  	[sflag:s23] =	ssyncset.done $0x0  }
0xa5: {  	s25 =	simm.s32 $0x1B8E;
	s24 =	sld [smem:$0x3FFE];
	[sflag:s23] =	ssyncadd.s32 $0xFFFFFFFF  }
0xa6: {  	s26 =	simm.s32 $execute0_lowered;
	[smem:$0x3FD2] =	sst s25  }
0xa7: {  	s6 =	sshll.u32 s26, $0x1;
	_ =	strace $0x8000004F;
	[dreg:$0x1] =	wrdreg $0xFFFFFFFF  }
0xa8: {  	s28 =	simm.s32 $_size_execute0_lowered;
	s4 =	sadd.s32 s4, s6;
	[dreg:$0x0] =	wrdreg $0x0  }
0xa9: {  	s6 =	sshll.u32 s28, $0x1;
	[dreg:$0x2] =	wrdreg s4  }
0xaa: {  	[dreg:$0x3] =	wrdreg s6  }
0xab: {  	[dreg:$0x4] =	wrdreg $0xC0  }
0xac: {  	_ =	task [dreg:s8], $0x5FFFF  }
0xad: {  	[dreg:$0x1] =	wrdreg $0xFFFFFFFF  }
0xae: {  	[dreg:$0x0] =	wrdreg $0x60  }
0xaf: {  	[dreg:$0x2] =	wrdreg s2  }
0xb0: {  	[dreg:$0x3] =	wrdreg s18  }
0xb1: {  	[dreg:$0x4] =	wrdreg s24  }
0xb2: {  	[dreg:$0x5] =	wrdreg $0x9  }
0xb3: {  	_ =	task.clear_ibuf [dreg:s8], $0x6FFFF;
	_ =	strace $0x9000004F  }
0xb4: {  	s29 =	simm.s32 $0x9;
	_ =	strace $0x80000051  }
0xb5: {  	_ =	swait.ge [sflag:s29], $0x1  }
0xb6: {  	[sflag:s29] =	ssyncadd.s32 $0xFFFFFFFF  }
0xb7: {  	_ =	strace $0x90000051  }
0xb8: {  	_ =	sfence  }
0xb9: {  	s30 =	sld [smem:$0x0];
	_ =	sdelay $0x2  }
0xba: {  	s31 =	sshll.u32 s1, $0xD;
	s1 =	sshrl.u32 s1, $0x2  }
0xbb: {  	s3 =	sand.u32 $0x4000, s31;
	s1 =	sadd.s32 s1, s30  }
0xbc: {  	s0 =	sor.u32 s3, s0;
	s1 =	sshll.u32 s1, $0x11  }
0xbd: {  	s0 =	sor.u32 s1, s0  }
0xbe: {  	s0 =	sadd.s32 $0x8F2B, s0  }
0xbf: {  	[sflag:s0] =	ssyncadd.remote.s32 $0x1  }
0xc0: {  	_ =	sfence.sel $0xFFFF  }
0xc1: {  	[dreg:$0x0] =	wrdreg $0xFFFFFFFF;
	(pc) =	sbr.abs _section_cstart, $3  }
0xc2: {  	[dreg:$0x1] =	wrdreg $0xFFFFFFFF  }
0xc3: {  	_ =	task.clear_ibuf [dreg:s8], $0x2FFFF;
	_ =	strace $0x9FFFFFFF  }
0xc4: {  	(tm) =	ssettm $0x7FFFFFFF  }
0xc5: {  	_ =	shalt  }
tec
execute0_lowered:
.L_overlay_start_1:
0x0: {  	(tag) =	ssettag $0x1  }
0x1: {  	s1 =	srdreg.scid;
	s0 =	stileid.u32  }
0x2: {  	s1 =	sand.u32 $0x1, s1;
	s3 =	sshll.u32 s0, $0x1  }
0x3: {  	s2 =	rddreg [dreg:$0x0];
	s6 =	sor.u32 s1, s3  }
0x4: {  	s4 =	rddreg [dreg:$0x1];
	s7 =	smul.u32 $0x3C8, s6  }
0x5: {  	s5 =	rddreg [dreg:$0x2];
	s3 =	simm.s32 $0x0;
	s6 =	sshll.u32 s6, $0xA  }
0x6: {  	[smem:$0x7FF] =	sst s3;
	s30 =	sadd.s32 s6, s5;
	s4 =	sadd.s32 s4, s7  }
0x7: {  	_ =	strace $0x80000050;
	s19 =	sadd.s32 $0x1000, s30;
	[dreg:$0x4] =	wrdreg s4  }
0x8: {  	s20 =	sadd.s32 $0x9000, s30;
	[dreg:$0x5] =	wrdreg s19  }
0x9: {  	s21 =	sadd.s32 $0x11000, s30;
	[dreg:$0x6] =	wrdreg s20  }
0xa: {  	s22 =	sadd.s32 $0x19000, s30;
	[dreg:$0x7] =	wrdreg s21  }
0xb: {  	s23 =	sadd.s32 $0x21000, s30;
	[dreg:$0x8] =	wrdreg s22  }
0xc: {  	s24 =	sadd.s32 $0x29000, s30;
	[dreg:$0x9] =	wrdreg s23  }
0xd: {  	s26 =	sadd.s32 $0x31000, s30;
	[dreg:$0xa] =	wrdreg s24  }
0xe: {  	[dreg:$0xb] =	wrdreg s26  }
0xf: {  	s4 =	simm.s32 $0x2;
	s25 =	rddreg [dreg:$0x4]  }
0x10: {  	[tilespmem:s3], [sflag:$0x2] =	stream.linear.gather [hbm4b:s25+s3], $0x1E40, $0x38;
	[tilespmem:$0x17E80] =	vst v63  }
0x11: {  	_ =	swait.ge [sflag:s4], $0x1E40  }
0x12: {  	s5 =	simm.s32 $0x2C0;
	[sflag:s4] =	ssyncset.done $0x0  }
0x13: {  	s6 =	simm.s32 $0x1E80;
	s7 =	simm.s32 $0x1;
	[sflag:s4] =	ssyncadd.s32 $0xFFFFE1C0  }
0x14: {  	[tilespmem:s6], [sflag:$0x1] =	stream.indirect.gather [hbm4b:s2+s5], $0x80, s3, s5, $0xb8;
	[tilespmem:$0x17E80] =	vst v63  }
0x15: {  	_ =	swait.ge [sflag:s7], $0x16000  }
0x16: {  	[sflag:s7] =	ssyncset.done $0x0  }
0x17: {  	[sflag:s7] =	ssyncadd.s32 $0xFFFEA000  }
0x18: {  	[tilespmem:s6], [sflag:$0x1] =	stream.indirect.gather.add.f32 [hbm:s2], $0x80, s5, s5, $0xb8;
	[tilespmem:$0x17E80] =	vst v63  }
0x19: {  	_ =	swait.ge [sflag:s7], $0x16000  }
0x1a: {  	[sflag:s7] =	ssyncset.done $0x0  }
0x1b: {  	s8 =	simm.s32 $0x580;
	[sflag:s7] =	ssyncadd.s32 $0xFFFEA000  }
0x1c: {  	[tilespmem:s6], [sflag:$0x1] =	stream.indirect.gather.add.f32 [hbm:s2], $0x80, s8, s5, $0xb8;
	[tilespmem:$0x17E80] =	vst v63  }
0x1d: {  	_ =	swait.ge [sflag:s7], $0x16000  }
0x1e: {  	[sflag:s7] =	ssyncset.done $0x0  }
0x1f: {  	s9 =	simm.s32 $0x840;
	[sflag:s7] =	ssyncadd.s32 $0xFFFEA000  }
0x20: {  	[tilespmem:s6], [sflag:$0x1] =	stream.indirect.gather.add.f32 [hbm:s2], $0x80, s9, s5, $0xb8;
	[tilespmem:$0x17E80] =	vst v63  }
0x21: {  	_ =	swait.ge [sflag:s7], $0x16000  }
0x22: {  	[sflag:s7] =	ssyncset.done $0x0  }
0x23: {  	s10 =	simm.s32 $0xB00;
	[sflag:s7] =	ssyncadd.s32 $0xFFFEA000  }
0x24: {  	[tilespmem:s6], [sflag:$0x1] =	stream.indirect.gather.add.f32 [hbm:s2], $0x80, s10, s5, $0xb8;
	[tilespmem:$0x17E80] =	vst v63  }
0x25: {  	_ =	swait.ge [sflag:s7], $0x16000  }
0x26: {  	[sflag:s7] =	ssyncset.done $0x0  }
0x27: {  	s11 =	simm.s32 $0xDC0;
	[sflag:s7] =	ssyncadd.s32 $0xFFFEA000  }
0x28: {  	[tilespmem:s6], [sflag:$0x1] =	stream.indirect.gather.add.f32 [hbm:s2], $0x80, s11, s5, $0xb8;
	[tilespmem:$0x17E80] =	vst v63  }
0x29: {  	_ =	swait.ge [sflag:s7], $0x16000  }
0x2a: {  	[sflag:s7] =	ssyncset.done $0x0  }
0x2b: {  	s12 =	simm.s32 $0x1080;
	[sflag:s7] =	ssyncadd.s32 $0xFFFEA000  }
0x2c: {  	[tilespmem:s6], [sflag:$0x1] =	stream.indirect.gather.add.f32 [hbm:s2], $0x80, s12, s5, $0xb8;
	[tilespmem:$0x17E80] =	vst v63  }
0x2d: {  	_ =	swait.ge [sflag:s7], $0x16000  }
0x2e: {  	[sflag:s7] =	ssyncset.done $0x0  }
0x2f: {  	s13 =	simm.s32 $0x1340;
	[sflag:s7] =	ssyncadd.s32 $0xFFFEA000  }
0x30: {  	[tilespmem:s6], [sflag:$0x1] =	stream.indirect.gather.add.f32 [hbm:s2], $0x80, s13, s5, $0xb8;
	[tilespmem:$0x17E80] =	vst v63  }
0x31: {  	_ =	swait.ge [sflag:s7], $0x16000  }
0x32: {  	[sflag:s7] =	ssyncset.done $0x0  }
0x33: {  	s14 =	simm.s32 $0x1600;
	[sflag:s7] =	ssyncadd.s32 $0xFFFEA000  }
0x34: {  	[tilespmem:s6], [sflag:$0x1] =	stream.indirect.gather.add.f32 [hbm:s2], $0x80, s14, s5, $0xb8;
	[tilespmem:$0x17E80] =	vst v63  }
0x35: {  	_ =	swait.ge [sflag:s7], $0x16000  }
0x36: {  	[sflag:s7] =	ssyncset.done $0x0  }
0x37: {  	s15 =	simm.s32 $0x18C0;
	[sflag:s7] =	ssyncadd.s32 $0xFFFEA000  }
0x38: {  	[tilespmem:s6], [sflag:$0x1] =	stream.indirect.gather.add.f32 [hbm:s2], $0x80, s15, s5, $0xb8;
	[tilespmem:$0x17E80] =	vst v63  }
0x39: {  	_ =	swait.ge [sflag:s7], $0x16000  }
0x3a: {  	[sflag:s7] =	ssyncset.done $0x0  }
0x3b: {  	s16 =	simm.s32 $0x1B80;
	[sflag:s7] =	ssyncadd.s32 $0xFFFEA000  }
0x3c: {  	[tilespmem:s6], [sflag:$0x1] =	stream.indirect.gather.add.f32 [hbm:s2], $0x80, s16, s5, $0xb8;
	[tilespmem:$0x17E80] =	vst v63  }
0x3d: {  	_ =	swait.ge [sflag:s7], $0x16000  }
0x3e: {  	[sflag:s7] =	ssyncset.done $0x0  }
0x3f: {  	s17 =	rddreg [dreg:$0x5];
	[sflag:s7] =	ssyncadd.s32 $0xFFFEA000  }
0x40: {  	[hbm4b:s17+s3] =	stream.linear.scatter [tilespmem:s6], [sflag:$0x2], $0x2000, $0x38;
	[tilespmem:$0x17E80] =	vst v63  }
0x41: {  	_ =	swait.ge [sflag:s4], $0x2000  }
0x42: {  	[sflag:s4] =	ssyncset.done $0x0  }
0x43: {  	s17 =	simm.s32 $0x3E80;
	s18 =	rddreg [dreg:$0x6];
	[sflag:s4] =	ssyncadd.s32 $0xFFFFE000  }
0x44: {  	[hbm4b:s18+s3] =	stream.linear.scatter [tilespmem:s17], [sflag:$0x2], $0x2000, $0x38;
	[tilespmem:$0x17E80] =	vst v63  }
0x45: {  	_ =	swait.ge [sflag:s4], $0x2000  }
0x46: {  	[sflag:s4] =	ssyncset.done $0x0  }
0x47: {  	s18 =	simm.s32 $0x5E80;
	s19 =	rddreg [dreg:$0x7];
	[sflag:s4] =	ssyncadd.s32 $0xFFFFE000  }
0x48: {  	[hbm4b:s19+s3] =	stream.linear.scatter [tilespmem:s18], [sflag:$0x2], $0x2000, $0x38;
	[tilespmem:$0x17E80] =	vst v63  }
0x49: {  	_ =	swait.ge [sflag:s4], $0x2000  }
0x4a: {  	[sflag:s4] =	ssyncset.done $0x0  }
0x4b: {  	s19 =	simm.s32 $0x7E80;
	s20 =	rddreg [dreg:$0x8];
	[sflag:s4] =	ssyncadd.s32 $0xFFFFE000  }
0x4c: {  	[hbm4b:s20+s3] =	stream.linear.scatter [tilespmem:s19], [sflag:$0x2], $0x2000, $0x38;
	[tilespmem:$0x17E80] =	vst v63  }
0x4d: {  	_ =	swait.ge [sflag:s4], $0x2000  }
0x4e: {  	[sflag:s4] =	ssyncset.done $0x0  }
0x4f: {  	s20 =	simm.s32 $0x9E80;
	s21 =	rddreg [dreg:$0x9];
	[sflag:s4] =	ssyncadd.s32 $0xFFFFE000  }
0x50: {  	[hbm4b:s21+s3] =	stream.linear.scatter [tilespmem:s20], [sflag:$0x2], $0x2000, $0x38;
	[tilespmem:$0x17E80] =	vst v63  }
0x51: {  	_ =	swait.ge [sflag:s4], $0x2000  }
0x52: {  	[sflag:s4] =	ssyncset.done $0x0  }
0x53: {  	s21 =	simm.s32 $0xBE80;
	s22 =	rddreg [dreg:$0xa];
	[sflag:s4] =	ssyncadd.s32 $0xFFFFE000  }
0x54: {  	[hbm4b:s22+s3] =	stream.linear.scatter [tilespmem:s21], [sflag:$0x2], $0x2000, $0x38;
	[tilespmem:$0x17E80] =	vst v63  }
0x55: {  	_ =	swait.ge [sflag:s4], $0x2000  }
0x56: {  	[sflag:s4] =	ssyncset.done $0x0  }
0x57: {  	s22 =	simm.s32 $0xDE80;
	s23 =	rddreg [dreg:$0xb];
	[sflag:s4] =	ssyncadd.s32 $0xFFFFE000  }
0x58: {  	[hbm4b:s23+s3] =	stream.linear.scatter [tilespmem:s22], [sflag:$0x2], $0x2000, $0x38;
	[tilespmem:$0x17E80] =	vst v63  }
0x59: {  	_ =	swait.ge [sflag:s4], $0x2000  }
0x5a: {  	[sflag:s4] =	ssyncset.done $0x0  }
0x5b: {  	s24 =	simm.s32 $0xFE80;
	s23 =	sadd.s32 $0x39000, s30;
	[sflag:s4] =	ssyncadd.s32 $0xFFFFE000  }
0x5c: {  	[hbm4b:s23+s3] =	stream.linear.scatter [tilespmem:s24], [sflag:$0x2], $0x2000, $0x38;
	[tilespmem:$0x17E80] =	vst v63  }
0x5d: {  	s1 =	ssub.s32 $0x2, s1;
	_ =	swait.ge [sflag:s4], $0x2000  }
0x5e: {  	s31 =	sshrl.u32 s1, $0x1;
	[sflag:s4] =	ssyncset.done $0x0  }
0x5f: {  	s26 =	simm.s32 $0x11E80;
	s25 =	sadd.s32 $0x41000, s30;
	[sflag:s4] =	ssyncadd.s32 $0xFFFFE000  }
0x60: {  	[hbm4b:s25+s3] =	stream.linear.scatter [tilespmem:s26], [sflag:$0x2], $0x2000, $0x38;
	[tilespmem:$0x17E80] =	vst v63  }
0x61: {  	s1 =	ssub.s32 s1, s31;
	_ =	swait.ge [sflag:s4], $0x2000  }
0x62: {  	s29 =	simm.s32 $0x13E80;
	s1 =	smax.u32 s1, $0x1;
	[sflag:s4] =	ssyncset.done $0x0  }
0x63: {  	s28 =	sadd.s32 $0x49000, s30;
	p0 =	sne.s32 s1, $0x1;
	[sflag:s4] =	ssyncadd.s32 $0xFFFFE000  }
0x64: {  	[hbm4b:s28+s3] =	stream.linear.scatter [tilespmem:s29], [sflag:$0x2], $0x2000, $0x38;
	[tilespmem:$0x17E80] =	vst v63  }
.Ltmp0:
0x65: {  	_ =	swait.ge [sflag:s4], $0x2000;
	(pc) =	sbr.rel @!p0 .LBB2_2-.Ltmp0, $4  }
0x66: {  	[sflag:s4] =	ssyncset.done $0x0  }
0x67: {  	s31 =	simm.s32 $0x15E80;
	s30 =	sadd.s32 $0x51000, s30;
	[sflag:s4] =	ssyncadd.s32 $0xFFFFE000  }
0x68: {  	[hbm4b:s30+s3] =	stream.linear.scatter [tilespmem:s31], [sflag:$0x2], $0x2000, $0x38;
	[tilespmem:$0x17E80] =	vst v63  }
0x69: {  	s1 =	sadd.s32 $0xFFFFFFFF, s1;
	_ =	swait.ge [sflag:s4], $0x2000  }
.LBB2_1:
0x6a: {  	[sflag:s4] =	ssyncset.done $0x0  }
0x6b: {  	s0 =	rddreg [dreg:$0x4];
	[sflag:s4] =	ssyncadd.s32 $0xFFFFE000  }
0x6c: {  	[tilespmem:s3], [sflag:$0x2] =	stream.linear.gather [hbm4b:s0+s3], $0x1E40, $0x38;
	[tilespmem:$0x17E80] =	vst v63  }
0x6d: {  	_ =	swait.ge [sflag:s4], $0x1E40  }
0x6e: {  	[sflag:s4] =	ssyncset.done $0x0  }
0x6f: {  	[sflag:s4] =	ssyncadd.s32 $0xFFFFE1C0  }
0x70: {  	[tilespmem:s6], [sflag:$0x1] =	stream.indirect.gather [hbm4b:s2+s5], $0x80, s3, s5, $0xb8;
	[tilespmem:$0x17E80] =	vst v63  }
0x71: {  	_ =	swait.ge [sflag:s7], $0x16000  }
0x72: {  	[sflag:s7] =	ssyncset.done $0x0  }
0x73: {  	[sflag:s7] =	ssyncadd.s32 $0xFFFEA000  }
0x74: {  	[tilespmem:s6], [sflag:$0x1] =	stream.indirect.gather.add.f32 [hbm:s2], $0x80, s5, s5, $0xb8;
	[tilespmem:$0x17E80] =	vst v63  }
0x75: {  	_ =	swait.ge [sflag:s7], $0x16000  }
0x76: {  	[sflag:s7] =	ssyncset.done $0x0  }
0x77: {  	[sflag:s7] =	ssyncadd.s32 $0xFFFEA000  }
0x78: {  	[tilespmem:s6], [sflag:$0x1] =	stream.indirect.gather.add.f32 [hbm:s2], $0x80, s8, s5, $0xb8;
	[tilespmem:$0x17E80] =	vst v63  }
0x79: {  	_ =	swait.ge [sflag:s7], $0x16000  }
0x7a: {  	[sflag:s7] =	ssyncset.done $0x0  }
0x7b: {  	[sflag:s7] =	ssyncadd.s32 $0xFFFEA000  }
0x7c: {  	[tilespmem:s6], [sflag:$0x1] =	stream.indirect.gather.add.f32 [hbm:s2], $0x80, s9, s5, $0xb8;
	[tilespmem:$0x17E80] =	vst v63  }
0x7d: {  	_ =	swait.ge [sflag:s7], $0x16000  }
0x7e: {  	[sflag:s7] =	ssyncset.done $0x0  }
0x7f: {  	[sflag:s7] =	ssyncadd.s32 $0xFFFEA000  }
0x80: {  	[tilespmem:s6], [sflag:$0x1] =	stream.indirect.gather.add.f32 [hbm:s2], $0x80, s10, s5, $0xb8;
	[tilespmem:$0x17E80] =	vst v63  }
0x81: {  	_ =	swait.ge [sflag:s7], $0x16000  }
0x82: {  	[sflag:s7] =	ssyncset.done $0x0  }
0x83: {  	[sflag:s7] =	ssyncadd.s32 $0xFFFEA000  }
0x84: {  	[tilespmem:s6], [sflag:$0x1] =	stream.indirect.gather.add.f32 [hbm:s2], $0x80, s11, s5, $0xb8;
	[tilespmem:$0x17E80] =	vst v63  }
0x85: {  	_ =	swait.ge [sflag:s7], $0x16000  }
0x86: {  	[sflag:s7] =	ssyncset.done $0x0  }
0x87: {  	[sflag:s7] =	ssyncadd.s32 $0xFFFEA000  }
0x88: {  	[tilespmem:s6], [sflag:$0x1] =	stream.indirect.gather.add.f32 [hbm:s2], $0x80, s12, s5, $0xb8;
	[tilespmem:$0x17E80] =	vst v63  }
0x89: {  	_ =	swait.ge [sflag:s7], $0x16000  }
0x8a: {  	[sflag:s7] =	ssyncset.done $0x0  }
0x8b: {  	[sflag:s7] =	ssyncadd.s32 $0xFFFEA000  }
0x8c: {  	[tilespmem:s6], [sflag:$0x1] =	stream.indirect.gather.add.f32 [hbm:s2], $0x80, s13, s5, $0xb8;
	[tilespmem:$0x17E80] =	vst v63  }
0x8d: {  	_ =	swait.ge [sflag:s7], $0x16000  }
0x8e: {  	[sflag:s7] =	ssyncset.done $0x0  }
0x8f: {  	[sflag:s7] =	ssyncadd.s32 $0xFFFEA000  }
0x90: {  	[tilespmem:s6], [sflag:$0x1] =	stream.indirect.gather.add.f32 [hbm:s2], $0x80, s14, s5, $0xb8;
	[tilespmem:$0x17E80] =	vst v63  }
0x91: {  	_ =	swait.ge [sflag:s7], $0x16000  }
0x92: {  	[sflag:s7] =	ssyncset.done $0x0  }
0x93: {  	[sflag:s7] =	ssyncadd.s32 $0xFFFEA000  }
0x94: {  	[tilespmem:s6], [sflag:$0x1] =	stream.indirect.gather.add.f32 [hbm:s2], $0x80, s15, s5, $0xb8;
	[tilespmem:$0x17E80] =	vst v63  }
0x95: {  	_ =	swait.ge [sflag:s7], $0x16000  }
0x96: {  	[sflag:s7] =	ssyncset.done $0x0  }
0x97: {  	[sflag:s7] =	ssyncadd.s32 $0xFFFEA000  }
0x98: {  	[tilespmem:s6], [sflag:$0x1] =	stream.indirect.gather.add.f32 [hbm:s2], $0x80, s16, s5, $0xb8;
	[tilespmem:$0x17E80] =	vst v63  }
0x99: {  	_ =	swait.ge [sflag:s7], $0x16000  }
0x9a: {  	[sflag:s7] =	ssyncset.done $0x0  }
0x9b: {  	s0 =	rddreg [dreg:$0x5];
	[sflag:s7] =	ssyncadd.s32 $0xFFFEA000  }
0x9c: {  	[hbm4b:s0+s3] =	stream.linear.scatter [tilespmem:s6], [sflag:$0x2], $0x2000, $0x38;
	[tilespmem:$0x17E80] =	vst v63  }
0x9d: {  	_ =	swait.ge [sflag:s4], $0x2000  }
0x9e: {  	[sflag:s4] =	ssyncset.done $0x0  }
0x9f: {  	s0 =	rddreg [dreg:$0x6];
	[sflag:s4] =	ssyncadd.s32 $0xFFFFE000  }
0xa0: {  	[hbm4b:s0+s3] =	stream.linear.scatter [tilespmem:s17], [sflag:$0x2], $0x2000, $0x38;
	[tilespmem:$0x17E80] =	vst v63  }
0xa1: {  	_ =	swait.ge [sflag:s4], $0x2000  }
0xa2: {  	[sflag:s4] =	ssyncset.done $0x0  }
0xa3: {  	s0 =	rddreg [dreg:$0x7];
	[sflag:s4] =	ssyncadd.s32 $0xFFFFE000  }
0xa4: {  	[hbm4b:s0+s3] =	stream.linear.scatter [tilespmem:s18], [sflag:$0x2], $0x2000, $0x38;
	[tilespmem:$0x17E80] =	vst v63  }
0xa5: {  	_ =	swait.ge [sflag:s4], $0x2000  }
0xa6: {  	[sflag:s4] =	ssyncset.done $0x0  }
0xa7: {  	s0 =	rddreg [dreg:$0x8];
	[sflag:s4] =	ssyncadd.s32 $0xFFFFE000  }
0xa8: {  	[hbm4b:s0+s3] =	stream.linear.scatter [tilespmem:s19], [sflag:$0x2], $0x2000, $0x38;
	[tilespmem:$0x17E80] =	vst v63  }
0xa9: {  	_ =	swait.ge [sflag:s4], $0x2000  }
0xaa: {  	[sflag:s4] =	ssyncset.done $0x0  }
0xab: {  	s0 =	rddreg [dreg:$0x9];
	[sflag:s4] =	ssyncadd.s32 $0xFFFFE000  }
0xac: {  	[hbm4b:s0+s3] =	stream.linear.scatter [tilespmem:s20], [sflag:$0x2], $0x2000, $0x38;
	[tilespmem:$0x17E80] =	vst v63  }
0xad: {  	_ =	swait.ge [sflag:s4], $0x2000  }
0xae: {  	[sflag:s4] =	ssyncset.done $0x0  }
0xaf: {  	s0 =	rddreg [dreg:$0xa];
	[sflag:s4] =	ssyncadd.s32 $0xFFFFE000  }
0xb0: {  	[hbm4b:s0+s3] =	stream.linear.scatter [tilespmem:s21], [sflag:$0x2], $0x2000, $0x38;
	[tilespmem:$0x17E80] =	vst v63  }
0xb1: {  	_ =	swait.ge [sflag:s4], $0x2000  }
0xb2: {  	[sflag:s4] =	ssyncset.done $0x0  }
0xb3: {  	s0 =	rddreg [dreg:$0xb];
	[sflag:s4] =	ssyncadd.s32 $0xFFFFE000  }
0xb4: {  	[hbm4b:s0+s3] =	stream.linear.scatter [tilespmem:s22], [sflag:$0x2], $0x2000, $0x38;
	[tilespmem:$0x17E80] =	vst v63  }
0xb5: {  	_ =	swait.ge [sflag:s4], $0x2000  }
0xb6: {  	[sflag:s4] =	ssyncset.done $0x0  }
0xb7: {  	[sflag:s4] =	ssyncadd.s32 $0xFFFFE000  }
0xb8: {  	[hbm4b:s23+s3] =	stream.linear.scatter [tilespmem:s24], [sflag:$0x2], $0x2000, $0x38;
	[tilespmem:$0x17E80] =	vst v63  }
0xb9: {  	_ =	swait.ge [sflag:s4], $0x2000  }
0xba: {  	[sflag:s4] =	ssyncset.done $0x0  }
0xbb: {  	[sflag:s4] =	ssyncadd.s32 $0xFFFFE000  }
0xbc: {  	[hbm4b:s25+s3] =	stream.linear.scatter [tilespmem:s26], [sflag:$0x2], $0x2000, $0x38;
	[tilespmem:$0x17E80] =	vst v63  }
0xbd: {  	_ =	swait.ge [sflag:s4], $0x2000  }
0xbe: {  	[sflag:s4] =	ssyncset.done $0x0  }
0xbf: {  	p0 =	sne.s32 s1, $0x1;
	[sflag:s4] =	ssyncadd.s32 $0xFFFFE000  }
0xc0: {  	[hbm4b:s28+s3] =	stream.linear.scatter [tilespmem:s29], [sflag:$0x2], $0x2000, $0x38;
	[tilespmem:$0x17E80] =	vst v63  }
.Ltmp1:
0xc1: {  	_ =	swait.ge [sflag:s4], $0x2000;
	(pc) =	sbr.rel @p0 .LBB2_1-.Ltmp1, $4  }
0xc2: {  	[sflag:s4] =	ssyncset.done $0x0  }
0xc3: {  	[sflag:s4] =	ssyncadd.s32 $0xFFFFE000  }
0xc4: {  	[hbm4b:s30+s3] =	stream.linear.scatter [tilespmem:s31], [sflag:$0x2], $0x2000, $0x38;
	[tilespmem:$0x17E80] =	vst v63  }
0xc5: {  	s1 =	sadd.s32 $0xFFFFFFFF, s1;
	_ =	swait.ge [sflag:s4], $0x2000  }
.LBB2_2:
0xc6: {  	[sflag:s4] =	ssyncset.done $0x0  }
0xc7: {  	[sflag:s4] =	ssyncadd.s32 $0xFFFFE000  }
0xc8: {  	_ =	sfence.sel $0x180000  }
0xc9: {  	[bflag:$0x0] =	sbarrier.arrive $0xFFFF  }
0xca: {  	_ =	strace $0x90000050  }
0xcb: {  	s0 =	stileid.u32;
	[bflag:$0x2] =	sbarrier.arrive $0xFFFF  }
0xcc: {  	p0 =	sne.s32 s0, $0x0;
	s0 =	rddreg [dreg:$0x3]  }
0xcd: {  	s0 =	sadd.s32 @!p0 $0x100000, s0  }
0xce: {  	[sflag:s0] =	ssyncadd.tile.s32 @!p0 $0x1;
	_ =	shalt  }
.Lfunc_end2:
_tile_overlayer_lowered:
.L_overlay_start_2:
0xcf: {  	(tag) =	ssettag $0x2  }
0xd0: {  	s0 =	rddreg [dreg:$0x0];
	s2 =	stileid.u32  }
0xd1: {  	s1 =	rddreg [dreg:$0x1];
	p0 =	sne.s32 s2, $0x0  }
0xd2: {  	s3 =	rddreg [dreg:$0x2];
	[bflag:$0x3] =	sbarrier.arrive $0xFFFF;
	s2 =	simm.s32 @!p0 $0x1C02  }
0xd3: {  	[timem:s3], [sflag:s2] =	dma.local @!p0 [hbm:s0], s1  }
0xd4: {  	s0 =	simm.s32 @!p0 $0x2  }
0xd5: {  	_ =	swait.ge @!p0 [sflag:s0], s1  }
0xd6: {  	s1 =	ssub.s32 @!p0 $0x0, s1;
	[sflag:s0] =	ssyncset.done @!p0 $0x0  }
0xd7: {  	[sflag:s0] =	ssyncadd.s32 @!p0 s1  }
0xd8: {  	[bflag:$0x3] =	sbarrier.arrive $0xFFFF  }
0xd9: {  	_ =	shalt  }

</sc_bundles>
